<compile_context>
chip_gen: v7x
topology: tpu7x:2x2x1
jax: 0.10.2.dev20260603
libtpu: 0.0.44.dev20260713+nightly
codegen_flags: <defaults>
</compile_context>

<pallas_src>
import functools

import jax
import jax.numpy as jnp
from jax import lax
from jax.experimental import pallas as pl
from jax.experimental.pallas import tpu as pltpu
from jax.experimental.pallas import tpu_sc as plsc

NUM_CORES = 2
NUM_SUBCORES = 16
NW = NUM_CORES * NUM_SUBCORES

CHUNK = 128
NBUF = 10
LEAD = NBUF // 2


@functools.partial(jax.jit, static_argnums=(2, 3))
def _emb_lookup(idx, table, nchunk, dim):
    b_total = NW * nchunk * CHUNK
    b_per_w = nchunk * CHUNK
    rounds = nchunk // NBUF

    mesh = plsc.VectorSubcoreMesh(core_axis_name="c", subcore_axis_name="s")

    @functools.partial(
        pl.kernel,
        mesh=mesh,
        out_type=jax.ShapeDtypeStruct((b_total, dim), jnp.float32),
        scratch_types=[
            pltpu.VMEM((nchunk, CHUNK), jnp.int32),
            pltpu.VMEM((NBUF, CHUNK, dim), jnp.float32),
        ] + [pltpu.SemaphoreType.DMA] * (2 * NBUF),
        compiler_params=pltpu.CompilerParams(use_tc_tiling_on_sc=False),
    )
    def emb_kernel(idx_hbm, table_hbm, out_hbm, idx_v, rows_v, *sems):
        gsems = sems[:NBUF]
        wsems = sems[NBUF:]
        wid = lax.axis_index("s") * NUM_CORES + lax.axis_index("c")
        base = wid * b_per_w
        nchunks = nchunk
        pltpu.sync_copy(idx_hbm.at[wid], idx_v)

        for b in range(LEAD):
            pltpu.async_copy(table_hbm.at[idx_v.at[b]], rows_v.at[b], gsems[b])

        def out_dst(j):
            return out_hbm.at[pl.ds(base + j * CHUNK, CHUNK)]

        def body(i, carry):
            for b in range(NBUF):
                j = i * NBUF + b
                pltpu.make_async_copy(
                    table_hbm.at[idx_v.at[j]], rows_v.at[b], gsems[b]
                ).wait()
                pltpu.make_async_copy(
                    rows_v.at[b], out_dst(j), wsems[b]
                ).start()

                jj = j + LEAD
                b2 = (b + LEAD) % NBUF

                @pl.when(jj < nchunks)
                def _():
                    @pl.when(jj >= NBUF)
                    def _():
                        pltpu.make_async_copy(
                            rows_v.at[b2], out_dst(jj - NBUF), wsems[b2]
                        ).wait()

                    pltpu.async_copy(
                        table_hbm.at[idx_v.at[jj]], rows_v.at[b2], gsems[b2]
                    )

            return carry

        lax.fori_loop(0, rounds, body, 0)

        for b in range(NBUF):
            j = b_per_w // CHUNK - NBUF + b
            pltpu.make_async_copy(
                rows_v.at[j % NBUF], out_dst(j), wsems[j % NBUF]
            ).wait()

    return emb_kernel(idx, table)


def kernel(x, weight):
    b, t = x.shape
    dim = weight.shape[1]
    b_total = b * t
    assert b_total % (NW * CHUNK) == 0
    nchunk = b_total // (NW * CHUNK)
    assert nchunk % NBUF == 0
    idx = x.reshape(NW, nchunk, CHUNK).astype(jnp.int32)
    rows = _emb_lookup(idx, weight, nchunk, dim)
    return rows.reshape(b, t, dim)

# --- scband reference (transcript-rebuilt; emitter-appended) ---
"""Pipeline reference for scband-efficient-embedding-layer-37864431681724 (READ-ONLY COPY).

The authoritative reference and input builder live on the scoring server;
editing this copy changes nothing except your own understanding.
"""

import jax, jax.numpy as jnp
import numpy as np

NUM_EMBEDDINGS = 1000000
EMBEDDING_DIM = 64

def setup_inputs(seed: int = 0) -> dict:
    key = jax.random.key(seed)
    k_idx, k_w = jax.random.split(key)
    x = jax.random.randint(k_idx, (4096, 50), 0, NUM_EMBEDDINGS, dtype=jnp.int64)
    weight = jax.random.normal(k_w, (NUM_EMBEDDINGS, EMBEDDING_DIM), dtype=jnp.float32) * 0.02
    return {"x": x, "weight": weight}

def reference(x, weight):
    # F.embedding(x, weight) with no padding_idx/max_norm is a plain row gather
    return jnp.take(weight, x, axis=0)

if __name__ == "__main__":
    import jax
    _d = setup_inputs()
    print(jax.jit(kernel)(*tuple(_d.values())))

</pallas_src>

<mosaic_0001>
#map = affine_map<(d0, d1) -> (0, 0, 0)>
#map1 = affine_map<(d0, d1) -> (0, 0)>
module attributes {stable_mosaic.version = 14 : i64} {
  func.func @emb_kernel(%arg0: i32, %arg1: i32, %arg2: memref<32x50x128xi32, #tpu.memory_space<hbm>>, %arg3: memref<1000000x64xf32, #tpu.memory_space<hbm>>, %arg4: memref<204800x64xf32, #tpu.memory_space<hbm>>, %arg5: memref<50x128xi32, #tpu.memory_space<vmem>>, %arg6: memref<10x128x64xf32, #tpu.memory_space<vmem>>, %arg7: memref<!tpu.dma_semaphore, #tpu.memory_space<semaphore_mem>>, %arg8: memref<!tpu.dma_semaphore, #tpu.memory_space<semaphore_mem>>, %arg9: memref<!tpu.dma_semaphore, #tpu.memory_space<semaphore_mem>>, %arg10: memref<!tpu.dma_semaphore, #tpu.memory_space<semaphore_mem>>, %arg11: memref<!tpu.dma_semaphore, #tpu.memory_space<semaphore_mem>>, %arg12: memref<!tpu.dma_semaphore, #tpu.memory_space<semaphore_mem>>, %arg13: memref<!tpu.dma_semaphore, #tpu.memory_space<semaphore_mem>>, %arg14: memref<!tpu.dma_semaphore, #tpu.memory_space<semaphore_mem>>, %arg15: memref<!tpu.dma_semaphore, #tpu.memory_space<semaphore_mem>>, %arg16: memref<!tpu.dma_semaphore, #tpu.memory_space<semaphore_mem>>, %arg17: memref<!tpu.dma_semaphore, #tpu.memory_space<semaphore_mem>>, %arg18: memref<!tpu.dma_semaphore, #tpu.memory_space<semaphore_mem>>, %arg19: memref<!tpu.dma_semaphore, #tpu.memory_space<semaphore_mem>>, %arg20: memref<!tpu.dma_semaphore, #tpu.memory_space<semaphore_mem>>, %arg21: memref<!tpu.dma_semaphore, #tpu.memory_space<semaphore_mem>>, %arg22: memref<!tpu.dma_semaphore, #tpu.memory_space<semaphore_mem>>, %arg23: memref<!tpu.dma_semaphore, #tpu.memory_space<semaphore_mem>>, %arg24: memref<!tpu.dma_semaphore, #tpu.memory_space<semaphore_mem>>, %arg25: memref<!tpu.dma_semaphore, #tpu.memory_space<semaphore_mem>>, %arg26: memref<!tpu.dma_semaphore, #tpu.memory_space<semaphore_mem>>) attributes {dimension_semantics = [#tpu.dimension_semantics<core_parallel>, #tpu.dimension_semantics<subcore_parallel>], iteration_bounds = array<i64: 2, 16>, scalar_prefetch = 0 : i64, scratch_operands = 22 : i64, tpu.core_type = #tpu.core_type<sc_vector_subcore>, window_params = [{transform_indices = #map}, {transform_indices = #map1}, {transform_indices = #map1}]} {
    %mul3A = arith.constant 2 : i32
    %mul3A_0 = arith.muli %arg1, %mul3A : i32
    %add3A = arith.addi %mul3A_0, %arg0 : i32
    %mul3A_1 = arith.constant 6400 : i32
    %mul3A_2 = arith.muli %add3A, %mul3A_1 : i32
    "tpu.region"() ({
      %run_scoped3A = tpu.sem_alloc : memref<!tpu.dma_semaphore, #tpu.memory_space<semaphore_mem>>
      %dma_start3A_216 = arith.constant 0 : i32
      %dma_start3A_217 = arith.constant 0 : i32
      %dma_start3A_218 = tpu.memref_slice %arg2[%add3A, %dma_start3A_216, %dma_start3A_217] : memref<32x50x128xi32, #tpu.memory_space<hbm>> -> memref<1x50x128xi32, #tpu.memory_space<hbm>>
      %dma_start3A_219 = tpu.memref_squeeze %dma_start3A_218 : memref<1x50x128xi32, #tpu.memory_space<hbm>> -> memref<50x128xi32, #tpu.memory_space<hbm>>
      %dma_start3A_220 = arith.constant 0 : i32
      %dma_start3A_221 = arith.constant 0 : i32
      %dma_start3A_222 = tpu.memref_slice %arg2[%add3A, %dma_start3A_220, %dma_start3A_221] : memref<32x50x128xi32, #tpu.memory_space<hbm>> -> memref<1x50x128xi32, #tpu.memory_space<hbm>>
      %dma_start3A_223 = tpu.memref_squeeze %dma_start3A_222 : memref<1x50x128xi32, #tpu.memory_space<hbm>> -> memref<50x128xi32, #tpu.memory_space<hbm>>
      tpu.enqueue_dma source(%dma_start3A_223 : memref<50x128xi32, #tpu.memory_space<hbm>>) target(%arg5 : memref<50x128xi32, #tpu.memory_space<vmem>>) target_semaphore(%run_scoped3A : memref<!tpu.dma_semaphore, #tpu.memory_space<semaphore_mem>>)
      %dma_wait3A_224 = arith.constant 0 : i32
      %dma_wait3A_225 = arith.constant 0 : i32
      %dma_wait3A_226 = tpu.memref_slice %arg2[%add3A, %dma_wait3A_224, %dma_wait3A_225] : memref<32x50x128xi32, #tpu.memory_space<hbm>> -> memref<1x50x128xi32, #tpu.memory_space<hbm>>
      %dma_wait3A_227 = tpu.memref_squeeze %dma_wait3A_226 : memref<1x50x128xi32, #tpu.memory_space<hbm>> -> memref<50x128xi32, #tpu.memory_space<hbm>>
      %dma_wait3A_228 = arith.constant 0 : i32
      %dma_wait3A_229 = arith.constant 0 : i32
      %dma_wait3A_230 = tpu.memref_slice %arg2[%add3A, %dma_wait3A_228, %dma_wait3A_229] : memref<32x50x128xi32, #tpu.memory_space<hbm>> -> memref<1x50x128xi32, #tpu.memory_space<hbm>>
      %dma_wait3A_231 = tpu.memref_squeeze %dma_wait3A_230 : memref<1x50x128xi32, #tpu.memory_space<hbm>> -> memref<50x128xi32, #tpu.memory_space<hbm>>
      tpu.wait_dma2 semaphore(%run_scoped3A : memref<!tpu.dma_semaphore, #tpu.memory_space<semaphore_mem>>) src(%dma_wait3A_231 : memref<50x128xi32, #tpu.memory_space<hbm>>) dst(%arg5 : memref<50x128xi32, #tpu.memory_space<vmem>>)
      tpu.yield
    }) : () -> ()
    %dma_start3A = arith.constant 0 : i32
    %dma_start3A_3 = arith.constant 0 : i32
    %dma_start3A_4 = arith.constant 0 : i32
    %dma_start3A_5 = arith.constant 0 : i32
    %dma_start3A_6 = tpu.memref_slice %arg6[%dma_start3A_3, %dma_start3A_4, %dma_start3A_5] : memref<10x128x64xf32, #tpu.memory_space<vmem>> -> memref<1x128x64xf32, #tpu.memory_space<vmem>>
    %dma_start3A_7 = tpu.memref_squeeze %dma_start3A_6 : memref<1x128x64xf32, #tpu.memory_space<vmem>> -> memref<128x64xf32, #tpu.memory_space<vmem>>
    %dma_start3A_8 = arith.constant 0 : i32
    %dma_start3A_9 = tpu.memref_slice %arg5[%dma_start3A, %dma_start3A_8] : memref<50x128xi32, #tpu.memory_space<vmem>> -> memref<1x128xi32, #tpu.memory_space<vmem>>
    %dma_start3A_10 = tpu.memref_squeeze %dma_start3A_9 : memref<1x128xi32, #tpu.memory_space<vmem>> -> memref<128xi32, #tpu.memory_space<vmem>>
    %dma_start3A_11 = arith.constant 0 : i32
    %dma_start3A_12 = arith.constant 0 : i32
    %dma_start3A_13 = tpu.memref_slice %arg3[%dma_start3A_11, %dma_start3A_12] : memref<1000000x64xf32, #tpu.memory_space<hbm>> -> memref<1000000x64xf32, #tpu.memory_space<hbm>>
    tpu.enqueue_indirect_dma source(%dma_start3A_13 : memref<1000000x64xf32, #tpu.memory_space<hbm>>) target(%dma_start3A_7 : memref<128x64xf32, #tpu.memory_space<vmem>>) offsets(%dma_start3A_10 : memref<128xi32, #tpu.memory_space<vmem>>) semaphore(%arg7 : memref<!tpu.dma_semaphore, #tpu.memory_space<semaphore_mem>>)
    %dma_start3A_14 = arith.constant 1 : i32
    %dma_start3A_15 = arith.constant 1 : i32
    %dma_start3A_16 = arith.constant 0 : i32
    %dma_start3A_17 = arith.constant 0 : i32
    %dma_start3A_18 = tpu.memref_slice %arg6[%dma_start3A_15, %dma_start3A_16, %dma_start3A_17] : memref<10x128x64xf32, #tpu.memory_space<vmem>> -> memref<1x128x64xf32, #tpu.memory_space<vmem>>
    %dma_start3A_19 = tpu.memref_squeeze %dma_start3A_18 : memref<1x128x64xf32, #tpu.memory_space<vmem>> -> memref<128x64xf32, #tpu.memory_space<vmem>>
    %dma_start3A_20 = arith.constant 0 : i32
    %dma_start3A_21 = tpu.memref_slice %arg5[%dma_start3A_14, %dma_start3A_20] : memref<50x128xi32, #tpu.memory_space<vmem>> -> memref<1x128xi32, #tpu.memory_space<vmem>>
    %dma_start3A_22 = tpu.memref_squeeze %dma_start3A_21 : memref<1x128xi32, #tpu.memory_space<vmem>> -> memref<128xi32, #tpu.memory_space<vmem>>
    %dma_start3A_23 = arith.constant 0 : i32
    %dma_start3A_24 = arith.constant 0 : i32
    %dma_start3A_25 = tpu.memref_slice %arg3[%dma_start3A_23, %dma_start3A_24] : memref<1000000x64xf32, #tpu.memory_space<hbm>> -> memref<1000000x64xf32, #tpu.memory_space<hbm>>
    tpu.enqueue_indirect_dma source(%dma_start3A_25 : memref<1000000x64xf32, #tpu.memory_space<hbm>>) target(%dma_start3A_19 : memref<128x64xf32, #tpu.memory_space<vmem>>) offsets(%dma_start3A_22 : memref<128xi32, #tpu.memory_space<vmem>>) semaphore(%arg8 : memref<!tpu.dma_semaphore, #tpu.memory_space<semaphore_mem>>)
    %dma_start3A_26 = arith.constant 2 : i32
    %dma_start3A_27 = arith.constant 2 : i32
    %dma_start3A_28 = arith.constant 0 : i32
    %dma_start3A_29 = arith.constant 0 : i32
    %dma_start3A_30 = tpu.memref_slice %arg6[%dma_start3A_27, %dma_start3A_28, %dma_start3A_29] : memref<10x128x64xf32, #tpu.memory_space<vmem>> -> memref<1x128x64xf32, #tpu.memory_space<vmem>>
    %dma_start3A_31 = tpu.memref_squeeze %dma_start3A_30 : memref<1x128x64xf32, #tpu.memory_space<vmem>> -> memref<128x64xf32, #tpu.memory_space<vmem>>
    %dma_start3A_32 = arith.constant 0 : i32
    %dma_start3A_33 = tpu.memref_slice %arg5[%dma_start3A_26, %dma_start3A_32] : memref<50x128xi32, #tpu.memory_space<vmem>> -> memref<1x128xi32, #tpu.memory_space<vmem>>
    %dma_start3A_34 = tpu.memref_squeeze %dma_start3A_33 : memref<1x128xi32, #tpu.memory_space<vmem>> -> memref<128xi32, #tpu.memory_space<vmem>>
    %dma_start3A_35 = arith.constant 0 : i32
    %dma_start3A_36 = arith.constant 0 : i32
    %dma_start3A_37 = tpu.memref_slice %arg3[%dma_start3A_35, %dma_start3A_36] : memref<1000000x64xf32, #tpu.memory_space<hbm>> -> memref<1000000x64xf32, #tpu.memory_space<hbm>>
    tpu.enqueue_indirect_dma source(%dma_start3A_37 : memref<1000000x64xf32, #tpu.memory_space<hbm>>) target(%dma_start3A_31 : memref<128x64xf32, #tpu.memory_space<vmem>>) offsets(%dma_start3A_34 : memref<128xi32, #tpu.memory_space<vmem>>) semaphore(%arg9 : memref<!tpu.dma_semaphore, #tpu.memory_space<semaphore_mem>>)
    %dma_start3A_38 = arith.constant 3 : i32
    %dma_start3A_39 = arith.constant 3 : i32
    %dma_start3A_40 = arith.constant 0 : i32
    %dma_start3A_41 = arith.constant 0 : i32
    %dma_start3A_42 = tpu.memref_slice %arg6[%dma_start3A_39, %dma_start3A_40, %dma_start3A_41] : memref<10x128x64xf32, #tpu.memory_space<vmem>> -> memref<1x128x64xf32, #tpu.memory_space<vmem>>
    %dma_start3A_43 = tpu.memref_squeeze %dma_start3A_42 : memref<1x128x64xf32, #tpu.memory_space<vmem>> -> memref<128x64xf32, #tpu.memory_space<vmem>>
    %dma_start3A_44 = arith.constant 0 : i32
    %dma_start3A_45 = tpu.memref_slice %arg5[%dma_start3A_38, %dma_start3A_44] : memref<50x128xi32, #tpu.memory_space<vmem>> -> memref<1x128xi32, #tpu.memory_space<vmem>>
    %dma_start3A_46 = tpu.memref_squeeze %dma_start3A_45 : memref<1x128xi32, #tpu.memory_space<vmem>> -> memref<128xi32, #tpu.memory_space<vmem>>
    %dma_start3A_47 = arith.constant 0 : i32
    %dma_start3A_48 = arith.constant 0 : i32
    %dma_start3A_49 = tpu.memref_slice %arg3[%dma_start3A_47, %dma_start3A_48] : memref<1000000x64xf32, #tpu.memory_space<hbm>> -> memref<1000000x64xf32, #tpu.memory_space<hbm>>
    tpu.enqueue_indirect_dma source(%dma_start3A_49 : memref<1000000x64xf32, #tpu.memory_space<hbm>>) target(%dma_start3A_43 : memref<128x64xf32, #tpu.memory_space<vmem>>) offsets(%dma_start3A_46 : memref<128xi32, #tpu.memory_space<vmem>>) semaphore(%arg10 : memref<!tpu.dma_semaphore, #tpu.memory_space<semaphore_mem>>)
    %dma_start3A_50 = arith.constant 4 : i32
    %dma_start3A_51 = arith.constant 4 : i32
    %dma_start3A_52 = arith.constant 0 : i32
    %dma_start3A_53 = arith.constant 0 : i32
    %dma_start3A_54 = tpu.memref_slice %arg6[%dma_start3A_51, %dma_start3A_52, %dma_start3A_53] : memref<10x128x64xf32, #tpu.memory_space<vmem>> -> memref<1x128x64xf32, #tpu.memory_space<vmem>>
    %dma_start3A_55 = tpu.memref_squeeze %dma_start3A_54 : memref<1x128x64xf32, #tpu.memory_space<vmem>> -> memref<128x64xf32, #tpu.memory_space<vmem>>
    %dma_start3A_56 = arith.constant 0 : i32
    %dma_start3A_57 = tpu.memref_slice %arg5[%dma_start3A_50, %dma_start3A_56] : memref<50x128xi32, #tpu.memory_space<vmem>> -> memref<1x128xi32, #tpu.memory_space<vmem>>
    %dma_start3A_58 = tpu.memref_squeeze %dma_start3A_57 : memref<1x128xi32, #tpu.memory_space<vmem>> -> memref<128xi32, #tpu.memory_space<vmem>>
    %dma_start3A_59 = arith.constant 0 : i32
    %dma_start3A_60 = arith.constant 0 : i32
    %dma_start3A_61 = tpu.memref_slice %arg3[%dma_start3A_59, %dma_start3A_60] : memref<1000000x64xf32, #tpu.memory_space<hbm>> -> memref<1000000x64xf32, #tpu.memory_space<hbm>>
    tpu.enqueue_indirect_dma source(%dma_start3A_61 : memref<1000000x64xf32, #tpu.memory_space<hbm>>) target(%dma_start3A_55 : memref<128x64xf32, #tpu.memory_space<vmem>>) offsets(%dma_start3A_58 : memref<128xi32, #tpu.memory_space<vmem>>) semaphore(%arg11 : memref<!tpu.dma_semaphore, #tpu.memory_space<semaphore_mem>>)
    %scan3A = arith.constant 0 : i32
    %scan3A_62 = arith.constant 0 : i32
    %scan3A_63 = arith.constant 5 : i32
    %scan3A_64 = arith.addi %scan3A_62, %scan3A_63 : i32
    %scan3A_65 = arith.constant 1 : i32
    scf.for %scan3A_216 = %scan3A_62 to %scan3A_64 step %scan3A_65  : i32 {
      %mul3A_217 = arith.constant 10 : i32
      %mul3A_218 = arith.muli %scan3A_216, %mul3A_217 : i32
      %add3A_219 = arith.constant 0 : i32
      %add3A_220 = arith.addi %mul3A_218, %add3A_219 : i32
      %dma_wait3A_221 = arith.constant 0 : i32
      %dma_wait3A_222 = arith.constant 0 : i32
      %dma_wait3A_223 = arith.constant 0 : i32
      %dma_wait3A_224 = tpu.memref_slice %arg6[%dma_wait3A_221, %dma_wait3A_222, %dma_wait3A_223] : memref<10x128x64xf32, #tpu.memory_space<vmem>> -> memref<1x128x64xf32, #tpu.memory_space<vmem>>
      %dma_wait3A_225 = tpu.memref_squeeze %dma_wait3A_224 : memref<1x128x64xf32, #tpu.memory_space<vmem>> -> memref<128x64xf32, #tpu.memory_space<vmem>>
      %dma_wait3A_226 = arith.constant 0 : i32
      %dma_wait3A_227 = tpu.memref_slice %arg5[%add3A_220, %dma_wait3A_226] : memref<50x128xi32, #tpu.memory_space<vmem>> -> memref<1x128xi32, #tpu.memory_space<vmem>>
      %dma_wait3A_228 = tpu.memref_squeeze %dma_wait3A_227 : memref<1x128xi32, #tpu.memory_space<vmem>> -> memref<128xi32, #tpu.memory_space<vmem>>
      %dma_wait3A_229 = arith.constant 0 : i32
      %dma_wait3A_230 = arith.constant 0 : i32
      %dma_wait3A_231 = tpu.memref_slice %arg3[%dma_wait3A_229, %dma_wait3A_230] : memref<1000000x64xf32, #tpu.memory_space<hbm>> -> memref<1000000x64xf32, #tpu.memory_space<hbm>>
      tpu.wait_indirect_dma semaphore(%arg7 : memref<!tpu.dma_semaphore, #tpu.memory_space<semaphore_mem>>) src(%dma_wait3A_231 : memref<1000000x64xf32, #tpu.memory_space<hbm>>) dst(%dma_wait3A_225 : memref<128x64xf32, #tpu.memory_space<vmem>>)
      %mul3A_232 = arith.constant 128 : i32
      %mul3A_233 = arith.muli %add3A_220, %mul3A_232 : i32
      %add3A_234 = arith.addi %mul3A_2, %mul3A_233 : i32
      %dma_start3A_235 = arith.constant 0 : i32
      %dma_start3A_236 = arith.constant 0 : i32
      %dma_start3A_237 = arith.constant 0 : i32
      %dma_start3A_238 = tpu.memref_slice %arg6[%dma_start3A_235, %dma_start3A_236, %dma_start3A_237] : memref<10x128x64xf32, #tpu.memory_space<vmem>> -> memref<1x128x64xf32, #tpu.memory_space<vmem>>
      %dma_start3A_239 = tpu.memref_squeeze %dma_start3A_238 : memref<1x128x64xf32, #tpu.memory_space<vmem>> -> memref<128x64xf32, #tpu.memory_space<vmem>>
      %dma_start3A_240 = arith.constant 0 : i32
      %dma_start3A_241 = tpu.memref_slice %arg4[%add3A_234, %dma_start3A_240] : memref<204800x64xf32, #tpu.memory_space<hbm>> -> memref<128x64xf32, #tpu.memory_space<hbm>>
      %dma_start3A_242 = arith.constant 0 : i32
      %dma_start3A_243 = tpu.memref_slice %arg4[%add3A_234, %dma_start3A_242] : memref<204800x64xf32, #tpu.memory_space<hbm>> -> memref<128x64xf32, #tpu.memory_space<hbm>>
      %dma_start3A_244 = arith.constant 0 : i32
      %dma_start3A_245 = arith.constant 0 : i32
      %dma_start3A_246 = tpu.memref_slice %arg6[%dma_start3A_235, %dma_start3A_244, %dma_start3A_245] : memref<10x128x64xf32, #tpu.memory_space<vmem>> -> memref<1x128x64xf32, #tpu.memory_space<vmem>>
      %dma_start3A_247 = tpu.memref_squeeze %dma_start3A_246 : memref<1x128x64xf32, #tpu.memory_space<vmem>> -> memref<128x64xf32, #tpu.memory_space<vmem>>
      tpu.enqueue_dma source(%dma_start3A_247 : memref<128x64xf32, #tpu.memory_space<vmem>>) target(%dma_start3A_243 : memref<128x64xf32, #tpu.memory_space<hbm>>) target_semaphore(%arg17 : memref<!tpu.dma_semaphore, #tpu.memory_space<semaphore_mem>>)
      %add3A_248 = arith.constant 5 : i32
      %add3A_249 = arith.addi %add3A_220, %add3A_248 : i32
      %lt3A = arith.constant 50 : i32
      %lt3A_250 = arith.cmpi slt, %add3A_249, %lt3A : i32
      %convert_element_type3A = arith.extui %lt3A_250 : i1 to i32
      %cond3A = arith.constant 0 : i32
      %cond3A_251 = arith.cmpi ne, %convert_element_type3A, %cond3A : i32
      scf.if %cond3A_251 {
        %ge3A = arith.constant 10 : i32
        %ge3A_594 = arith.cmpi sge, %add3A_249, %ge3A : i32
        %convert_element_type3A_595 = arith.extui %ge3A_594 : i1 to i32
        %cond3A_596 = arith.constant 0 : i32
        %cond3A_597 = arith.cmpi ne, %convert_element_type3A_595, %cond3A_596 : i32
        scf.if %cond3A_597 {
          %sub3A = arith.constant 10 : i32
          %sub3A_609 = arith.subi %add3A_249, %sub3A : i32
          %mul3A_610 = arith.constant 128 : i32
          %mul3A_611 = arith.muli %sub3A_609, %mul3A_610 : i32
          %add3A_612 = arith.addi %mul3A_2, %mul3A_611 : i32
          %dma_wait3A_613 = arith.constant 5 : i32
          %dma_wait3A_614 = arith.constant 0 : i32
          %dma_wait3A_615 = arith.constant 0 : i32
          %dma_wait3A_616 = tpu.memref_slice %arg6[%dma_wait3A_613, %dma_wait3A_614, %dma_wait3A_615] : memref<10x128x64xf32, #tpu.memory_space<vmem>> -> memref<1x128x64xf32, #tpu.memory_space<vmem>>
          %dma_wait3A_617 = tpu.memref_squeeze %dma_wait3A_616 : memref<1x128x64xf32, #tpu.memory_space<vmem>> -> memref<128x64xf32, #tpu.memory_space<vmem>>
          %dma_wait3A_618 = arith.constant 0 : i32
          %dma_wait3A_619 = tpu.memref_slice %arg4[%add3A_612, %dma_wait3A_618] : memref<204800x64xf32, #tpu.memory_space<hbm>> -> memref<128x64xf32, #tpu.memory_space<hbm>>
          %dma_wait3A_620 = arith.constant 0 : i32
          %dma_wait3A_621 = tpu.memref_slice %arg4[%add3A_612, %dma_wait3A_620] : memref<204800x64xf32, #tpu.memory_space<hbm>> -> memref<128x64xf32, #tpu.memory_space<hbm>>
          %dma_wait3A_622 = arith.constant 0 : i32
          %dma_wait3A_623 = arith.constant 0 : i32
          %dma_wait3A_624 = tpu.memref_slice %arg6[%dma_wait3A_613, %dma_wait3A_622, %dma_wait3A_623] : memref<10x128x64xf32, #tpu.memory_space<vmem>> -> memref<1x128x64xf32, #tpu.memory_space<vmem>>
          %dma_wait3A_625 = tpu.memref_squeeze %dma_wait3A_624 : memref<1x128x64xf32, #tpu.memory_space<vmem>> -> memref<128x64xf32, #tpu.memory_space<vmem>>
          tpu.wait_dma2 semaphore(%arg22 : memref<!tpu.dma_semaphore, #tpu.memory_space<semaphore_mem>>) src(%dma_wait3A_625 : memref<128x64xf32, #tpu.memory_space<vmem>>) dst(%dma_wait3A_621 : memref<128x64xf32, #tpu.memory_space<hbm>>)
        } else {
        }
        %dma_start3A_598 = arith.constant 5 : i32
        %dma_start3A_599 = arith.constant 0 : i32
        %dma_start3A_600 = arith.constant 0 : i32
        %dma_start3A_601 = tpu.memref_slice %arg6[%dma_start3A_598, %dma_start3A_599, %dma_start3A_600] : memref<10x128x64xf32, #tpu.memory_space<vmem>> -> memref<1x128x64xf32, #tpu.memory_space<vmem>>
        %dma_start3A_602 = tpu.memref_squeeze %dma_start3A_601 : memref<1x128x64xf32, #tpu.memory_space<vmem>> -> memref<128x64xf32, #tpu.memory_space<vmem>>
        %dma_start3A_603 = arith.constant 0 : i32
        %dma_start3A_604 = tpu.memref_slice %arg5[%add3A_249, %dma_start3A_603] : memref<50x128xi32, #tpu.memory_space<vmem>> -> memref<1x128xi32, #tpu.memory_space<vmem>>
        %dma_start3A_605 = tpu.memref_squeeze %dma_start3A_604 : memref<1x128xi32, #tpu.memory_space<vmem>> -> memref<128xi32, #tpu.memory_space<vmem>>
        %dma_start3A_606 = arith.constant 0 : i32
        %dma_start3A_607 = arith.constant 0 : i32
        %dma_start3A_608 = tpu.memref_slice %arg3[%dma_start3A_606, %dma_start3A_607] : memref<1000000x64xf32, #tpu.memory_space<hbm>> -> memref<1000000x64xf32, #tpu.memory_space<hbm>>
        tpu.enqueue_indirect_dma source(%dma_start3A_608 : memref<1000000x64xf32, #tpu.memory_space<hbm>>) target(%dma_start3A_602 : memref<128x64xf32, #tpu.memory_space<vmem>>) offsets(%dma_start3A_605 : memref<128xi32, #tpu.memory_space<vmem>>) semaphore(%arg12 : memref<!tpu.dma_semaphore, #tpu.memory_space<semaphore_mem>>)
      } else {
      }
      %mul3A_252 = arith.constant 10 : i32
      %mul3A_253 = arith.muli %scan3A_216, %mul3A_252 : i32
      %add3A_254 = arith.constant 1 : i32
      %add3A_255 = arith.addi %mul3A_253, %add3A_254 : i32
      %dma_wait3A_256 = arith.constant 1 : i32
      %dma_wait3A_257 = arith.constant 0 : i32
      %dma_wait3A_258 = arith.constant 0 : i32
      %dma_wait3A_259 = tpu.memref_slice %arg6[%dma_wait3A_256, %dma_wait3A_257, %dma_wait3A_258] : memref<10x128x64xf32, #tpu.memory_space<vmem>> -> memref<1x128x64xf32, #tpu.memory_space<vmem>>
      %dma_wait3A_260 = tpu.memref_squeeze %dma_wait3A_259 : memref<1x128x64xf32, #tpu.memory_space<vmem>> -> memref<128x64xf32, #tpu.memory_space<vmem>>
      %dma_wait3A_261 = arith.constant 0 : i32
      %dma_wait3A_262 = tpu.memref_slice %arg5[%add3A_255, %dma_wait3A_261] : memref<50x128xi32, #tpu.memory_space<vmem>> -> memref<1x128xi32, #tpu.memory_space<vmem>>
      %dma_wait3A_263 = tpu.memref_squeeze %dma_wait3A_262 : memref<1x128xi32, #tpu.memory_space<vmem>> -> memref<128xi32, #tpu.memory_space<vmem>>
      %dma_wait3A_264 = arith.constant 0 : i32
      %dma_wait3A_265 = arith.constant 0 : i32
      %dma_wait3A_266 = tpu.memref_slice %arg3[%dma_wait3A_264, %dma_wait3A_265] : memref<1000000x64xf32, #tpu.memory_space<hbm>> -> memref<1000000x64xf32, #tpu.memory_space<hbm>>
      tpu.wait_indirect_dma semaphore(%arg8 : memref<!tpu.dma_semaphore, #tpu.memory_space<semaphore_mem>>) src(%dma_wait3A_266 : memref<1000000x64xf32, #tpu.memory_space<hbm>>) dst(%dma_wait3A_260 : memref<128x64xf32, #tpu.memory_space<vmem>>)
      %mul3A_267 = arith.constant 128 : i32
      %mul3A_268 = arith.muli %add3A_255, %mul3A_267 : i32
      %add3A_269 = arith.addi %mul3A_2, %mul3A_268 : i32
      %dma_start3A_270 = arith.constant 1 : i32
      %dma_start3A_271 = arith.constant 0 : i32
      %dma_start3A_272 = arith.constant 0 : i32
      %dma_start3A_273 = tpu.memref_slice %arg6[%dma_start3A_270, %dma_start3A_271, %dma_start3A_272] : memref<10x128x64xf32, #tpu.memory_space<vmem>> -> memref<1x128x64xf32, #tpu.memory_space<vmem>>
      %dma_start3A_274 = tpu.memref_squeeze %dma_start3A_273 : memref<1x128x64xf32, #tpu.memory_space<vmem>> -> memref<128x64xf32, #tpu.memory_space<vmem>>
      %dma_start3A_275 = arith.constant 0 : i32
      %dma_start3A_276 = tpu.memref_slice %arg4[%add3A_269, %dma_start3A_275] : memref<204800x64xf32, #tpu.memory_space<hbm>> -> memref<128x64xf32, #tpu.memory_space<hbm>>
      %dma_start3A_277 = arith.constant 0 : i32
      %dma_start3A_278 = tpu.memref_slice %arg4[%add3A_269, %dma_start3A_277] : memref<204800x64xf32, #tpu.memory_space<hbm>> -> memref<128x64xf32, #tpu.memory_space<hbm>>
      %dma_start3A_279 = arith.constant 0 : i32
      %dma_start3A_280 = arith.constant 0 : i32
      %dma_start3A_281 = tpu.memref_slice %arg6[%dma_start3A_270, %dma_start3A_279, %dma_start3A_280] : memref<10x128x64xf32, #tpu.memory_space<vmem>> -> memref<1x128x64xf32, #tpu.memory_space<vmem>>
      %dma_start3A_282 = tpu.memref_squeeze %dma_start3A_281 : memref<1x128x64xf32, #tpu.memory_space<vmem>> -> memref<128x64xf32, #tpu.memory_space<vmem>>
      tpu.enqueue_dma source(%dma_start3A_282 : memref<128x64xf32, #tpu.memory_space<vmem>>) target(%dma_start3A_278 : memref<128x64xf32, #tpu.memory_space<hbm>>) target_semaphore(%arg18 : memref<!tpu.dma_semaphore, #tpu.memory_space<semaphore_mem>>)
      %add3A_283 = arith.constant 5 : i32
      %add3A_284 = arith.addi %add3A_255, %add3A_283 : i32
      %lt3A_285 = arith.constant 50 : i32
      %lt3A_286 = arith.cmpi slt, %add3A_284, %lt3A_285 : i32
      %convert_element_type3A_287 = arith.extui %lt3A_286 : i1 to i32
      %cond3A_288 = arith.constant 0 : i32
      %cond3A_289 = arith.cmpi ne, %convert_element_type3A_287, %cond3A_288 : i32
      scf.if %cond3A_289 {
        %ge3A = arith.constant 10 : i32
        %ge3A_594 = arith.cmpi sge, %add3A_284, %ge3A : i32
        %convert_element_type3A_595 = arith.extui %ge3A_594 : i1 to i32
        %cond3A_596 = arith.constant 0 : i32
        %cond3A_597 = arith.cmpi ne, %convert_element_type3A_595, %cond3A_596 : i32
        scf.if %cond3A_597 {
          %sub3A = arith.constant 10 : i32
          %sub3A_609 = arith.subi %add3A_284, %sub3A : i32
          %mul3A_610 = arith.constant 128 : i32
          %mul3A_611 = arith.muli %sub3A_609, %mul3A_610 : i32
          %add3A_612 = arith.addi %mul3A_2, %mul3A_611 : i32
          %dma_wait3A_613 = arith.constant 6 : i32
          %dma_wait3A_614 = arith.constant 0 : i32
          %dma_wait3A_615 = arith.constant 0 : i32
          %dma_wait3A_616 = tpu.memref_slice %arg6[%dma_wait3A_613, %dma_wait3A_614, %dma_wait3A_615] : memref<10x128x64xf32, #tpu.memory_space<vmem>> -> memref<1x128x64xf32, #tpu.memory_space<vmem>>
          %dma_wait3A_617 = tpu.memref_squeeze %dma_wait3A_616 : memref<1x128x64xf32, #tpu.memory_space<vmem>> -> memref<128x64xf32, #tpu.memory_space<vmem>>
          %dma_wait3A_618 = arith.constant 0 : i32
          %dma_wait3A_619 = tpu.memref_slice %arg4[%add3A_612, %dma_wait3A_618] : memref<204800x64xf32, #tpu.memory_space<hbm>> -> memref<128x64xf32, #tpu.memory_space<hbm>>
          %dma_wait3A_620 = arith.constant 0 : i32
          %dma_wait3A_621 = tpu.memref_slice %arg4[%add3A_612, %dma_wait3A_620] : memref<204800x64xf32, #tpu.memory_space<hbm>> -> memref<128x64xf32, #tpu.memory_space<hbm>>
          %dma_wait3A_622 = arith.constant 0 : i32
          %dma_wait3A_623 = arith.constant 0 : i32
          %dma_wait3A_624 = tpu.memref_slice %arg6[%dma_wait3A_613, %dma_wait3A_622, %dma_wait3A_623] : memref<10x128x64xf32, #tpu.memory_space<vmem>> -> memref<1x128x64xf32, #tpu.memory_space<vmem>>
          %dma_wait3A_625 = tpu.memref_squeeze %dma_wait3A_624 : memref<1x128x64xf32, #tpu.memory_space<vmem>> -> memref<128x64xf32, #tpu.memory_space<vmem>>
          tpu.wait_dma2 semaphore(%arg23 : memref<!tpu.dma_semaphore, #tpu.memory_space<semaphore_mem>>) src(%dma_wait3A_625 : memref<128x64xf32, #tpu.memory_space<vmem>>) dst(%dma_wait3A_621 : memref<128x64xf32, #tpu.memory_space<hbm>>)
        } else {
        }
        %dma_start3A_598 = arith.constant 6 : i32
        %dma_start3A_599 = arith.constant 0 : i32
        %dma_start3A_600 = arith.constant 0 : i32
        %dma_start3A_601 = tpu.memref_slice %arg6[%dma_start3A_598, %dma_start3A_599, %dma_start3A_600] : memref<10x128x64xf32, #tpu.memory_space<vmem>> -> memref<1x128x64xf32, #tpu.memory_space<vmem>>
        %dma_start3A_602 = tpu.memref_squeeze %dma_start3A_601 : memref<1x128x64xf32, #tpu.memory_space<vmem>> -> memref<128x64xf32, #tpu.memory_space<vmem>>
        %dma_start3A_603 = arith.constant 0 : i32
        %dma_start3A_604 = tpu.memref_slice %arg5[%add3A_284, %dma_start3A_603] : memref<50x128xi32, #tpu.memory_space<vmem>> -> memref<1x128xi32, #tpu.memory_space<vmem>>
        %dma_start3A_605 = tpu.memref_squeeze %dma_start3A_604 : memref<1x128xi32, #tpu.memory_space<vmem>> -> memref<128xi32, #tpu.memory_space<vmem>>
        %dma_start3A_606 = arith.constant 0 : i32
        %dma_start3A_607 = arith.constant 0 : i32
        %dma_start3A_608 = tpu.memref_slice %arg3[%dma_start3A_606, %dma_start3A_607] : memref<1000000x64xf32, #tpu.memory_space<hbm>> -> memref<1000000x64xf32, #tpu.memory_space<hbm>>
        tpu.enqueue_indirect_dma source(%dma_start3A_608 : memref<1000000x64xf32, #tpu.memory_space<hbm>>) target(%dma_start3A_602 : memref<128x64xf32, #tpu.memory_space<vmem>>) offsets(%dma_start3A_605 : memref<128xi32, #tpu.memory_space<vmem>>) semaphore(%arg13 : memref<!tpu.dma_semaphore, #tpu.memory_space<semaphore_mem>>)
      } else {
      }
      %mul3A_290 = arith.constant 10 : i32
      %mul3A_291 = arith.muli %scan3A_216, %mul3A_290 : i32
      %add3A_292 = arith.constant 2 : i32
      %add3A_293 = arith.addi %mul3A_291, %add3A_292 : i32
      %dma_wait3A_294 = arith.constant 2 : i32
      %dma_wait3A_295 = arith.constant 0 : i32
      %dma_wait3A_296 = arith.constant 0 : i32
      %dma_wait3A_297 = tpu.memref_slice %arg6[%dma_wait3A_294, %dma_wait3A_295, %dma_wait3A_296] : memref<10x128x64xf32, #tpu.memory_space<vmem>> -> memref<1x128x64xf32, #tpu.memory_space<vmem>>
      %dma_wait3A_298 = tpu.memref_squeeze %dma_wait3A_297 : memref<1x128x64xf32, #tpu.memory_space<vmem>> -> memref<128x64xf32, #tpu.memory_space<vmem>>
      %dma_wait3A_299 = arith.constant 0 : i32
      %dma_wait3A_300 = tpu.memref_slice %arg5[%add3A_293, %dma_wait3A_299] : memref<50x128xi32, #tpu.memory_space<vmem>> -> memref<1x128xi32, #tpu.memory_space<vmem>>
      %dma_wait3A_301 = tpu.memref_squeeze %dma_wait3A_300 : memref<1x128xi32, #tpu.memory_space<vmem>> -> memref<128xi32, #tpu.memory_space<vmem>>
      %dma_wait3A_302 = arith.constant 0 : i32
      %dma_wait3A_303 = arith.constant 0 : i32
      %dma_wait3A_304 = tpu.memref_slice %arg3[%dma_wait3A_302, %dma_wait3A_303] : memref<1000000x64xf32, #tpu.memory_space<hbm>> -> memref<1000000x64xf32, #tpu.memory_space<hbm>>
      tpu.wait_indirect_dma semaphore(%arg9 : memref<!tpu.dma_semaphore, #tpu.memory_space<semaphore_mem>>) src(%dma_wait3A_304 : memref<1000000x64xf32, #tpu.memory_space<hbm>>) dst(%dma_wait3A_298 : memref<128x64xf32, #tpu.memory_space<vmem>>)
      %mul3A_305 = arith.constant 128 : i32
      %mul3A_306 = arith.muli %add3A_293, %mul3A_305 : i32
      %add3A_307 = arith.addi %mul3A_2, %mul3A_306 : i32
      %dma_start3A_308 = arith.constant 2 : i32
      %dma_start3A_309 = arith.constant 0 : i32
      %dma_start3A_310 = arith.constant 0 : i32
      %dma_start3A_311 = tpu.memref_slice %arg6[%dma_start3A_308, %dma_start3A_309, %dma_start3A_310] : memref<10x128x64xf32, #tpu.memory_space<vmem>> -> memref<1x128x64xf32, #tpu.memory_space<vmem>>
      %dma_start3A_312 = tpu.memref_squeeze %dma_start3A_311 : memref<1x128x64xf32, #tpu.memory_space<vmem>> -> memref<128x64xf32, #tpu.memory_space<vmem>>
      %dma_start3A_313 = arith.constant 0 : i32
      %dma_start3A_314 = tpu.memref_slice %arg4[%add3A_307, %dma_start3A_313] : memref<204800x64xf32, #tpu.memory_space<hbm>> -> memref<128x64xf32, #tpu.memory_space<hbm>>
      %dma_start3A_315 = arith.constant 0 : i32
      %dma_start3A_316 = tpu.memref_slice %arg4[%add3A_307, %dma_start3A_315] : memref<204800x64xf32, #tpu.memory_space<hbm>> -> memref<128x64xf32, #tpu.memory_space<hbm>>
      %dma_start3A_317 = arith.constant 0 : i32
      %dma_start3A_318 = arith.constant 0 : i32
      %dma_start3A_319 = tpu.memref_slice %arg6[%dma_start3A_308, %dma_start3A_317, %dma_start3A_318] : memref<10x128x64xf32, #tpu.memory_space<vmem>> -> memref<1x128x64xf32, #tpu.memory_space<vmem>>
      %dma_start3A_320 = tpu.memref_squeeze %dma_start3A_319 : memref<1x128x64xf32, #tpu.memory_space<vmem>> -> memref<128x64xf32, #tpu.memory_space<vmem>>
      tpu.enqueue_dma source(%dma_start3A_320 : memref<128x64xf32, #tpu.memory_space<vmem>>) target(%dma_start3A_316 : memref<128x64xf32, #tpu.memory_space<hbm>>) target_semaphore(%arg19 : memref<!tpu.dma_semaphore, #tpu.memory_space<semaphore_mem>>)
      %add3A_321 = arith.constant 5 : i32
      %add3A_322 = arith.addi %add3A_293, %add3A_321 : i32
      %lt3A_323 = arith.constant 50 : i32
      %lt3A_324 = arith.cmpi slt, %add3A_322, %lt3A_323 : i32
      %convert_element_type3A_325 = arith.extui %lt3A_324 : i1 to i32
      %cond3A_326 = arith.constant 0 : i32
      %cond3A_327 = arith.cmpi ne, %convert_element_type3A_325, %cond3A_326 : i32
      scf.if %cond3A_327 {
        %ge3A = arith.constant 10 : i32
        %ge3A_594 = arith.cmpi sge, %add3A_322, %ge3A : i32
        %convert_element_type3A_595 = arith.extui %ge3A_594 : i1 to i32
        %cond3A_596 = arith.constant 0 : i32
        %cond3A_597 = arith.cmpi ne, %convert_element_type3A_595, %cond3A_596 : i32
        scf.if %cond3A_597 {
          %sub3A = arith.constant 10 : i32
          %sub3A_609 = arith.subi %add3A_322, %sub3A : i32
          %mul3A_610 = arith.constant 128 : i32
          %mul3A_611 = arith.muli %sub3A_609, %mul3A_610 : i32
          %add3A_612 = arith.addi %mul3A_2, %mul3A_611 : i32
          %dma_wait3A_613 = arith.constant 7 : i32
          %dma_wait3A_614 = arith.constant 0 : i32
          %dma_wait3A_615 = arith.constant 0 : i32
          %dma_wait3A_616 = tpu.memref_slice %arg6[%dma_wait3A_613, %dma_wait3A_614, %dma_wait3A_615] : memref<10x128x64xf32, #tpu.memory_space<vmem>> -> memref<1x128x64xf32, #tpu.memory_space<vmem>>
          %dma_wait3A_617 = tpu.memref_squeeze %dma_wait3A_616 : memref<1x128x64xf32, #tpu.memory_space<vmem>> -> memref<128x64xf32, #tpu.memory_space<vmem>>
          %dma_wait3A_618 = arith.constant 0 : i32
          %dma_wait3A_619 = tpu.memref_slice %arg4[%add3A_612, %dma_wait3A_618] : memref<204800x64xf32, #tpu.memory_space<hbm>> -> memref<128x64xf32, #tpu.memory_space<hbm>>
          %dma_wait3A_620 = arith.constant 0 : i32
          %dma_wait3A_621 = tpu.memref_slice %arg4[%add3A_612, %dma_wait3A_620] : memref<204800x64xf32, #tpu.memory_space<hbm>> -> memref<128x64xf32, #tpu.memory_space<hbm>>
          %dma_wait3A_622 = arith.constant 0 : i32
          %dma_wait3A_623 = arith.constant 0 : i32
          %dma_wait3A_624 = tpu.memref_slice %arg6[%dma_wait3A_613, %dma_wait3A_622, %dma_wait3A_623] : memref<10x128x64xf32, #tpu.memory_space<vmem>> -> memref<1x128x64xf32, #tpu.memory_space<vmem>>
          %dma_wait3A_625 = tpu.memref_squeeze %dma_wait3A_624 : memref<1x128x64xf32, #tpu.memory_space<vmem>> -> memref<128x64xf32, #tpu.memory_space<vmem>>
          tpu.wait_dma2 semaphore(%arg24 : memref<!tpu.dma_semaphore, #tpu.memory_space<semaphore_mem>>) src(%dma_wait3A_625 : memref<128x64xf32, #tpu.memory_space<vmem>>) dst(%dma_wait3A_621 : memref<128x64xf32, #tpu.memory_space<hbm>>)
        } else {
        }
        %dma_start3A_598 = arith.constant 7 : i32
        %dma_start3A_599 = arith.constant 0 : i32
        %dma_start3A_600 = arith.constant 0 : i32
        %dma_start3A_601 = tpu.memref_slice %arg6[%dma_start3A_598, %dma_start3A_599, %dma_start3A_600] : memref<10x128x64xf32, #tpu.memory_space<vmem>> -> memref<1x128x64xf32, #tpu.memory_space<vmem>>
        %dma_start3A_602 = tpu.memref_squeeze %dma_start3A_601 : memref<1x128x64xf32, #tpu.memory_space<vmem>> -> memref<128x64xf32, #tpu.memory_space<vmem>>
        %dma_start3A_603 = arith.constant 0 : i32
        %dma_start3A_604 = tpu.memref_slice %arg5[%add3A_322, %dma_start3A_603] : memref<50x128xi32, #tpu.memory_space<vmem>> -> memref<1x128xi32, #tpu.memory_space<vmem>>
        %dma_start3A_605 = tpu.memref_squeeze %dma_start3A_604 : memref<1x128xi32, #tpu.memory_space<vmem>> -> memref<128xi32, #tpu.memory_space<vmem>>
        %dma_start3A_606 = arith.constant 0 : i32
        %dma_start3A_607 = arith.constant 0 : i32
        %dma_start3A_608 = tpu.memref_slice %arg3[%dma_start3A_606, %dma_start3A_607] : memref<1000000x64xf32, #tpu.memory_space<hbm>> -> memref<1000000x64xf32, #tpu.memory_space<hbm>>
        tpu.enqueue_indirect_dma source(%dma_start3A_608 : memref<1000000x64xf32, #tpu.memory_space<hbm>>) target(%dma_start3A_602 : memref<128x64xf32, #tpu.memory_space<vmem>>) offsets(%dma_start3A_605 : memref<128xi32, #tpu.memory_space<vmem>>) semaphore(%arg14 : memref<!tpu.dma_semaphore, #tpu.memory_space<semaphore_mem>>)
      } else {
      }
      %mul3A_328 = arith.constant 10 : i32
      %mul3A_329 = arith.muli %scan3A_216, %mul3A_328 : i32
      %add3A_330 = arith.constant 3 : i32
      %add3A_331 = arith.addi %mul3A_329, %add3A_330 : i32
      %dma_wait3A_332 = arith.constant 3 : i32
      %dma_wait3A_333 = arith.constant 0 : i32
      %dma_wait3A_334 = arith.constant 0 : i32
      %dma_wait3A_335 = tpu.memref_slice %arg6[%dma_wait3A_332, %dma_wait3A_333, %dma_wait3A_334] : memref<10x128x64xf32, #tpu.memory_space<vmem>> -> memref<1x128x64xf32, #tpu.memory_space<vmem>>
      %dma_wait3A_336 = tpu.memref_squeeze %dma_wait3A_335 : memref<1x128x64xf32, #tpu.memory_space<vmem>> -> memref<128x64xf32, #tpu.memory_space<vmem>>
      %dma_wait3A_337 = arith.constant 0 : i32
      %dma_wait3A_338 = tpu.memref_slice %arg5[%add3A_331, %dma_wait3A_337] : memref<50x128xi32, #tpu.memory_space<vmem>> -> memref<1x128xi32, #tpu.memory_space<vmem>>
      %dma_wait3A_339 = tpu.memref_squeeze %dma_wait3A_338 : memref<1x128xi32, #tpu.memory_space<vmem>> -> memref<128xi32, #tpu.memory_space<vmem>>
      %dma_wait3A_340 = arith.constant 0 : i32
      %dma_wait3A_341 = arith.constant 0 : i32
      %dma_wait3A_342 = tpu.memref_slice %arg3[%dma_wait3A_340, %dma_wait3A_341] : memref<1000000x64xf32, #tpu.memory_space<hbm>> -> memref<1000000x64xf32, #tpu.memory_space<hbm>>
      tpu.wait_indirect_dma semaphore(%arg10 : memref<!tpu.dma_semaphore, #tpu.memory_space<semaphore_mem>>) src(%dma_wait3A_342 : memref<1000000x64xf32, #tpu.memory_space<hbm>>) dst(%dma_wait3A_336 : memref<128x64xf32, #tpu.memory_space<vmem>>)
      %mul3A_343 = arith.constant 128 : i32
      %mul3A_344 = arith.muli %add3A_331, %mul3A_343 : i32
      %add3A_345 = arith.addi %mul3A_2, %mul3A_344 : i32
      %dma_start3A_346 = arith.constant 3 : i32
      %dma_start3A_347 = arith.constant 0 : i32
      %dma_start3A_348 = arith.constant 0 : i32
      %dma_start3A_349 = tpu.memref_slice %arg6[%dma_start3A_346, %dma_start3A_347, %dma_start3A_348] : memref<10x128x64xf32, #tpu.memory_space<vmem>> -> memref<1x128x64xf32, #tpu.memory_space<vmem>>
      %dma_start3A_350 = tpu.memref_squeeze %dma_start3A_349 : memref<1x128x64xf32, #tpu.memory_space<vmem>> -> memref<128x64xf32, #tpu.memory_space<vmem>>
      %dma_start3A_351 = arith.constant 0 : i32
      %dma_start3A_352 = tpu.memref_slice %arg4[%add3A_345, %dma_start3A_351] : memref<204800x64xf32, #tpu.memory_space<hbm>> -> memref<128x64xf32, #tpu.memory_space<hbm>>
      %dma_start3A_353 = arith.constant 0 : i32
      %dma_start3A_354 = tpu.memref_slice %arg4[%add3A_345, %dma_start3A_353] : memref<204800x64xf32, #tpu.memory_space<hbm>> -> memref<128x64xf32, #tpu.memory_space<hbm>>
      %dma_start3A_355 = arith.constant 0 : i32
      %dma_start3A_356 = arith.constant 0 : i32
      %dma_start3A_357 = tpu.memref_slice %arg6[%dma_start3A_346, %dma_start3A_355, %dma_start3A_356] : memref<10x128x64xf32, #tpu.memory_space<vmem>> -> memref<1x128x64xf32, #tpu.memory_space<vmem>>
      %dma_start3A_358 = tpu.memref_squeeze %dma_start3A_357 : memref<1x128x64xf32, #tpu.memory_space<vmem>> -> memref<128x64xf32, #tpu.memory_space<vmem>>
      tpu.enqueue_dma source(%dma_start3A_358 : memref<128x64xf32, #tpu.memory_space<vmem>>) target(%dma_start3A_354 : memref<128x64xf32, #tpu.memory_space<hbm>>) target_semaphore(%arg20 : memref<!tpu.dma_semaphore, #tpu.memory_space<semaphore_mem>>)
      %add3A_359 = arith.constant 5 : i32
      %add3A_360 = arith.addi %add3A_331, %add3A_359 : i32
      %lt3A_361 = arith.constant 50 : i32
      %lt3A_362 = arith.cmpi slt, %add3A_360, %lt3A_361 : i32
      %convert_element_type3A_363 = arith.extui %lt3A_362 : i1 to i32
      %cond3A_364 = arith.constant 0 : i32
      %cond3A_365 = arith.cmpi ne, %convert_element_type3A_363, %cond3A_364 : i32
      scf.if %cond3A_365 {
        %ge3A = arith.constant 10 : i32
        %ge3A_594 = arith.cmpi sge, %add3A_360, %ge3A : i32
        %convert_element_type3A_595 = arith.extui %ge3A_594 : i1 to i32
        %cond3A_596 = arith.constant 0 : i32
        %cond3A_597 = arith.cmpi ne, %convert_element_type3A_595, %cond3A_596 : i32
        scf.if %cond3A_597 {
          %sub3A = arith.constant 10 : i32
          %sub3A_609 = arith.subi %add3A_360, %sub3A : i32
          %mul3A_610 = arith.constant 128 : i32
          %mul3A_611 = arith.muli %sub3A_609, %mul3A_610 : i32
          %add3A_612 = arith.addi %mul3A_2, %mul3A_611 : i32
          %dma_wait3A_613 = arith.constant 8 : i32
          %dma_wait3A_614 = arith.constant 0 : i32
          %dma_wait3A_615 = arith.constant 0 : i32
          %dma_wait3A_616 = tpu.memref_slice %arg6[%dma_wait3A_613, %dma_wait3A_614, %dma_wait3A_615] : memref<10x128x64xf32, #tpu.memory_space<vmem>> -> memref<1x128x64xf32, #tpu.memory_space<vmem>>
          %dma_wait3A_617 = tpu.memref_squeeze %dma_wait3A_616 : memref<1x128x64xf32, #tpu.memory_space<vmem>> -> memref<128x64xf32, #tpu.memory_space<vmem>>
          %dma_wait3A_618 = arith.constant 0 : i32
          %dma_wait3A_619 = tpu.memref_slice %arg4[%add3A_612, %dma_wait3A_618] : memref<204800x64xf32, #tpu.memory_space<hbm>> -> memref<128x64xf32, #tpu.memory_space<hbm>>
          %dma_wait3A_620 = arith.constant 0 : i32
          %dma_wait3A_621 = tpu.memref_slice %arg4[%add3A_612, %dma_wait3A_620] : memref<204800x64xf32, #tpu.memory_space<hbm>> -> memref<128x64xf32, #tpu.memory_space<hbm>>
          %dma_wait3A_622 = arith.constant 0 : i32
          %dma_wait3A_623 = arith.constant 0 : i32
          %dma_wait3A_624 = tpu.memref_slice %arg6[%dma_wait3A_613, %dma_wait3A_622, %dma_wait3A_623] : memref<10x128x64xf32, #tpu.memory_space<vmem>> -> memref<1x128x64xf32, #tpu.memory_space<vmem>>
          %dma_wait3A_625 = tpu.memref_squeeze %dma_wait3A_624 : memref<1x128x64xf32, #tpu.memory_space<vmem>> -> memref<128x64xf32, #tpu.memory_space<vmem>>
          tpu.wait_dma2 semaphore(%arg25 : memref<!tpu.dma_semaphore, #tpu.memory_space<semaphore_mem>>) src(%dma_wait3A_625 : memref<128x64xf32, #tpu.memory_space<vmem>>) dst(%dma_wait3A_621 : memref<128x64xf32, #tpu.memory_space<hbm>>)
        } else {
        }
        %dma_start3A_598 = arith.constant 8 : i32
        %dma_start3A_599 = arith.constant 0 : i32
        %dma_start3A_600 = arith.constant 0 : i32
        %dma_start3A_601 = tpu.memref_slice %arg6[%dma_start3A_598, %dma_start3A_599, %dma_start3A_600] : memref<10x128x64xf32, #tpu.memory_space<vmem>> -> memref<1x128x64xf32, #tpu.memory_space<vmem>>
        %dma_start3A_602 = tpu.memref_squeeze %dma_start3A_601 : memref<1x128x64xf32, #tpu.memory_space<vmem>> -> memref<128x64xf32, #tpu.memory_space<vmem>>
        %dma_start3A_603 = arith.constant 0 : i32
        %dma_start3A_604 = tpu.memref_slice %arg5[%add3A_360, %dma_start3A_603] : memref<50x128xi32, #tpu.memory_space<vmem>> -> memref<1x128xi32, #tpu.memory_space<vmem>>
        %dma_start3A_605 = tpu.memref_squeeze %dma_start3A_604 : memref<1x128xi32, #tpu.memory_space<vmem>> -> memref<128xi32, #tpu.memory_space<vmem>>
        %dma_start3A_606 = arith.constant 0 : i32
        %dma_start3A_607 = arith.constant 0 : i32
        %dma_start3A_608 = tpu.memref_slice %arg3[%dma_start3A_606, %dma_start3A_607] : memref<1000000x64xf32, #tpu.memory_space<hbm>> -> memref<1000000x64xf32, #tpu.memory_space<hbm>>
        tpu.enqueue_indirect_dma source(%dma_start3A_608 : memref<1000000x64xf32, #tpu.memory_space<hbm>>) target(%dma_start3A_602 : memref<128x64xf32, #tpu.memory_space<vmem>>) offsets(%dma_start3A_605 : memref<128xi32, #tpu.memory_space<vmem>>) semaphore(%arg15 : memref<!tpu.dma_semaphore, #tpu.memory_space<semaphore_mem>>)
      } else {
      }
      %mul3A_366 = arith.constant 10 : i32
      %mul3A_367 = arith.muli %scan3A_216, %mul3A_366 : i32
      %add3A_368 = arith.constant 4 : i32
      %add3A_369 = arith.addi %mul3A_367, %add3A_368 : i32
      %dma_wait3A_370 = arith.constant 4 : i32
      %dma_wait3A_371 = arith.constant 0 : i32
      %dma_wait3A_372 = arith.constant 0 : i32
      %dma_wait3A_373 = tpu.memref_slice %arg6[%dma_wait3A_370, %dma_wait3A_371, %dma_wait3A_372] : memref<10x128x64xf32, #tpu.memory_space<vmem>> -> memref<1x128x64xf32, #tpu.memory_space<vmem>>
      %dma_wait3A_374 = tpu.memref_squeeze %dma_wait3A_373 : memref<1x128x64xf32, #tpu.memory_space<vmem>> -> memref<128x64xf32, #tpu.memory_space<vmem>>
      %dma_wait3A_375 = arith.constant 0 : i32
      %dma_wait3A_376 = tpu.memref_slice %arg5[%add3A_369, %dma_wait3A_375] : memref<50x128xi32, #tpu.memory_space<vmem>> -> memref<1x128xi32, #tpu.memory_space<vmem>>
      %dma_wait3A_377 = tpu.memref_squeeze %dma_wait3A_376 : memref<1x128xi32, #tpu.memory_space<vmem>> -> memref<128xi32, #tpu.memory_space<vmem>>
      %dma_wait3A_378 = arith.constant 0 : i32
      %dma_wait3A_379 = arith.constant 0 : i32
      %dma_wait3A_380 = tpu.memref_slice %arg3[%dma_wait3A_378, %dma_wait3A_379] : memref<1000000x64xf32, #tpu.memory_space<hbm>> -> memref<1000000x64xf32, #tpu.memory_space<hbm>>
      tpu.wait_indirect_dma semaphore(%arg11 : memref<!tpu.dma_semaphore, #tpu.memory_space<semaphore_mem>>) src(%dma_wait3A_380 : memref<1000000x64xf32, #tpu.memory_space<hbm>>) dst(%dma_wait3A_374 : memref<128x64xf32, #tpu.memory_space<vmem>>)
      %mul3A_381 = arith.constant 128 : i32
      %mul3A_382 = arith.muli %add3A_369, %mul3A_381 : i32
      %add3A_383 = arith.addi %mul3A_2, %mul3A_382 : i32
      %dma_start3A_384 = arith.constant 4 : i32
      %dma_start3A_385 = arith.constant 0 : i32
      %dma_start3A_386 = arith.constant 0 : i32
      %dma_start3A_387 = tpu.memref_slice %arg6[%dma_start3A_384, %dma_start3A_385, %dma_start3A_386] : memref<10x128x64xf32, #tpu.memory_space<vmem>> -> memref<1x128x64xf32, #tpu.memory_space<vmem>>
      %dma_start3A_388 = tpu.memref_squeeze %dma_start3A_387 : memref<1x128x64xf32, #tpu.memory_space<vmem>> -> memref<128x64xf32, #tpu.memory_space<vmem>>
      %dma_start3A_389 = arith.constant 0 : i32
      %dma_start3A_390 = tpu.memref_slice %arg4[%add3A_383, %dma_start3A_389] : memref<204800x64xf32, #tpu.memory_space<hbm>> -> memref<128x64xf32, #tpu.memory_space<hbm>>
      %dma_start3A_391 = arith.constant 0 : i32
      %dma_start3A_392 = tpu.memref_slice %arg4[%add3A_383, %dma_start3A_391] : memref<204800x64xf32, #tpu.memory_space<hbm>> -> memref<128x64xf32, #tpu.memory_space<hbm>>
      %dma_start3A_393 = arith.constant 0 : i32
      %dma_start3A_394 = arith.constant 0 : i32
      %dma_start3A_395 = tpu.memref_slice %arg6[%dma_start3A_384, %dma_start3A_393, %dma_start3A_394] : memref<10x128x64xf32, #tpu.memory_space<vmem>> -> memref<1x128x64xf32, #tpu.memory_space<vmem>>
      %dma_start3A_396 = tpu.memref_squeeze %dma_start3A_395 : memref<1x128x64xf32, #tpu.memory_space<vmem>> -> memref<128x64xf32, #tpu.memory_space<vmem>>
      tpu.enqueue_dma source(%dma_start3A_396 : memref<128x64xf32, #tpu.memory_space<vmem>>) target(%dma_start3A_392 : memref<128x64xf32, #tpu.memory_space<hbm>>) target_semaphore(%arg21 : memref<!tpu.dma_semaphore, #tpu.memory_space<semaphore_mem>>)
      %add3A_397 = arith.constant 5 : i32
      %add3A_398 = arith.addi %add3A_369, %add3A_397 : i32
      %lt3A_399 = arith.constant 50 : i32
      %lt3A_400 = arith.cmpi slt, %add3A_398, %lt3A_399 : i32
      %convert_element_type3A_401 = arith.extui %lt3A_400 : i1 to i32
      %cond3A_402 = arith.constant 0 : i32
      %cond3A_403 = arith.cmpi ne, %convert_element_type3A_401, %cond3A_402 : i32
      scf.if %cond3A_403 {
        %ge3A = arith.constant 10 : i32
        %ge3A_594 = arith.cmpi sge, %add3A_398, %ge3A : i32
        %convert_element_type3A_595 = arith.extui %ge3A_594 : i1 to i32
        %cond3A_596 = arith.constant 0 : i32
        %cond3A_597 = arith.cmpi ne, %convert_element_type3A_595, %cond3A_596 : i32
        scf.if %cond3A_597 {
          %sub3A = arith.constant 10 : i32
          %sub3A_609 = arith.subi %add3A_398, %sub3A : i32
          %mul3A_610 = arith.constant 128 : i32
          %mul3A_611 = arith.muli %sub3A_609, %mul3A_610 : i32
          %add3A_612 = arith.addi %mul3A_2, %mul3A_611 : i32
          %dma_wait3A_613 = arith.constant 9 : i32
          %dma_wait3A_614 = arith.constant 0 : i32
          %dma_wait3A_615 = arith.constant 0 : i32
          %dma_wait3A_616 = tpu.memref_slice %arg6[%dma_wait3A_613, %dma_wait3A_614, %dma_wait3A_615] : memref<10x128x64xf32, #tpu.memory_space<vmem>> -> memref<1x128x64xf32, #tpu.memory_space<vmem>>
          %dma_wait3A_617 = tpu.memref_squeeze %dma_wait3A_616 : memref<1x128x64xf32, #tpu.memory_space<vmem>> -> memref<128x64xf32, #tpu.memory_space<vmem>>
          %dma_wait3A_618 = arith.constant 0 : i32
          %dma_wait3A_619 = tpu.memref_slice %arg4[%add3A_612, %dma_wait3A_618] : memref<204800x64xf32, #tpu.memory_space<hbm>> -> memref<128x64xf32, #tpu.memory_space<hbm>>
          %dma_wait3A_620 = arith.constant 0 : i32
          %dma_wait3A_621 = tpu.memref_slice %arg4[%add3A_612, %dma_wait3A_620] : memref<204800x64xf32, #tpu.memory_space<hbm>> -> memref<128x64xf32, #tpu.memory_space<hbm>>
          %dma_wait3A_622 = arith.constant 0 : i32
          %dma_wait3A_623 = arith.constant 0 : i32
          %dma_wait3A_624 = tpu.memref_slice %arg6[%dma_wait3A_613, %dma_wait3A_622, %dma_wait3A_623] : memref<10x128x64xf32, #tpu.memory_space<vmem>> -> memref<1x128x64xf32, #tpu.memory_space<vmem>>
          %dma_wait3A_625 = tpu.memref_squeeze %dma_wait3A_624 : memref<1x128x64xf32, #tpu.memory_space<vmem>> -> memref<128x64xf32, #tpu.memory_space<vmem>>
          tpu.wait_dma2 semaphore(%arg26 : memref<!tpu.dma_semaphore, #tpu.memory_space<semaphore_mem>>) src(%dma_wait3A_625 : memref<128x64xf32, #tpu.memory_space<vmem>>) dst(%dma_wait3A_621 : memref<128x64xf32, #tpu.memory_space<hbm>>)
        } else {
        }
        %dma_start3A_598 = arith.constant 9 : i32
        %dma_start3A_599 = arith.constant 0 : i32
        %dma_start3A_600 = arith.constant 0 : i32
        %dma_start3A_601 = tpu.memref_slice %arg6[%dma_start3A_598, %dma_start3A_599, %dma_start3A_600] : memref<10x128x64xf32, #tpu.memory_space<vmem>> -> memref<1x128x64xf32, #tpu.memory_space<vmem>>
        %dma_start3A_602 = tpu.memref_squeeze %dma_start3A_601 : memref<1x128x64xf32, #tpu.memory_space<vmem>> -> memref<128x64xf32, #tpu.memory_space<vmem>>
        %dma_start3A_603 = arith.constant 0 : i32
        %dma_start3A_604 = tpu.memref_slice %arg5[%add3A_398, %dma_start3A_603] : memref<50x128xi32, #tpu.memory_space<vmem>> -> memref<1x128xi32, #tpu.memory_space<vmem>>
        %dma_start3A_605 = tpu.memref_squeeze %dma_start3A_604 : memref<1x128xi32, #tpu.memory_space<vmem>> -> memref<128xi32, #tpu.memory_space<vmem>>
        %dma_start3A_606 = arith.constant 0 : i32
        %dma_start3A_607 = arith.constant 0 : i32
        %dma_start3A_608 = tpu.memref_slice %arg3[%dma_start3A_606, %dma_start3A_607] : memref<1000000x64xf32, #tpu.memory_space<hbm>> -> memref<1000000x64xf32, #tpu.memory_space<hbm>>
        tpu.enqueue_indirect_dma source(%dma_start3A_608 : memref<1000000x64xf32, #tpu.memory_space<hbm>>) target(%dma_start3A_602 : memref<128x64xf32, #tpu.memory_space<vmem>>) offsets(%dma_start3A_605 : memref<128xi32, #tpu.memory_space<vmem>>) semaphore(%arg16 : memref<!tpu.dma_semaphore, #tpu.memory_space<semaphore_mem>>)
      } else {
      }
      %mul3A_404 = arith.constant 10 : i32
      %mul3A_405 = arith.muli %scan3A_216, %mul3A_404 : i32
      %add3A_406 = arith.constant 5 : i32
      %add3A_407 = arith.addi %mul3A_405, %add3A_406 : i32
      %dma_wait3A_408 = arith.constant 5 : i32
      %dma_wait3A_409 = arith.constant 0 : i32
      %dma_wait3A_410 = arith.constant 0 : i32
      %dma_wait3A_411 = tpu.memref_slice %arg6[%dma_wait3A_408, %dma_wait3A_409, %dma_wait3A_410] : memref<10x128x64xf32, #tpu.memory_space<vmem>> -> memref<1x128x64xf32, #tpu.memory_space<vmem>>
      %dma_wait3A_412 = tpu.memref_squeeze %dma_wait3A_411 : memref<1x128x64xf32, #tpu.memory_space<vmem>> -> memref<128x64xf32, #tpu.memory_space<vmem>>
      %dma_wait3A_413 = arith.constant 0 : i32
      %dma_wait3A_414 = tpu.memref_slice %arg5[%add3A_407, %dma_wait3A_413] : memref<50x128xi32, #tpu.memory_space<vmem>> -> memref<1x128xi32, #tpu.memory_space<vmem>>
      %dma_wait3A_415 = tpu.memref_squeeze %dma_wait3A_414 : memref<1x128xi32, #tpu.memory_space<vmem>> -> memref<128xi32, #tpu.memory_space<vmem>>
      %dma_wait3A_416 = arith.constant 0 : i32
      %dma_wait3A_417 = arith.constant 0 : i32
      %dma_wait3A_418 = tpu.memref_slice %arg3[%dma_wait3A_416, %dma_wait3A_417] : memref<1000000x64xf32, #tpu.memory_space<hbm>> -> memref<1000000x64xf32, #tpu.memory_space<hbm>>
      tpu.wait_indirect_dma semaphore(%arg12 : memref<!tpu.dma_semaphore, #tpu.memory_space<semaphore_mem>>) src(%dma_wait3A_418 : memref<1000000x64xf32, #tpu.memory_space<hbm>>) dst(%dma_wait3A_412 : memref<128x64xf32, #tpu.memory_space<vmem>>)
      %mul3A_419 = arith.constant 128 : i32
      %mul3A_420 = arith.muli %add3A_407, %mul3A_419 : i32
      %add3A_421 = arith.addi %mul3A_2, %mul3A_420 : i32
      %dma_start3A_422 = arith.constant 5 : i32
      %dma_start3A_423 = arith.constant 0 : i32
      %dma_start3A_424 = arith.constant 0 : i32
      %dma_start3A_425 = tpu.memref_slice %arg6[%dma_start3A_422, %dma_start3A_423, %dma_start3A_424] : memref<10x128x64xf32, #tpu.memory_space<vmem>> -> memref<1x128x64xf32, #tpu.memory_space<vmem>>
      %dma_start3A_426 = tpu.memref_squeeze %dma_start3A_425 : memref<1x128x64xf32, #tpu.memory_space<vmem>> -> memref<128x64xf32, #tpu.memory_space<vmem>>
      %dma_start3A_427 = arith.constant 0 : i32
      %dma_start3A_428 = tpu.memref_slice %arg4[%add3A_421, %dma_start3A_427] : memref<204800x64xf32, #tpu.memory_space<hbm>> -> memref<128x64xf32, #tpu.memory_space<hbm>>
      %dma_start3A_429 = arith.constant 0 : i32
      %dma_start3A_430 = tpu.memref_slice %arg4[%add3A_421, %dma_start3A_429] : memref<204800x64xf32, #tpu.memory_space<hbm>> -> memref<128x64xf32, #tpu.memory_space<hbm>>
      %dma_start3A_431 = arith.constant 0 : i32
      %dma_start3A_432 = arith.constant 0 : i32
      %dma_start3A_433 = tpu.memref_slice %arg6[%dma_start3A_422, %dma_start3A_431, %dma_start3A_432] : memref<10x128x64xf32, #tpu.memory_space<vmem>> -> memref<1x128x64xf32, #tpu.memory_space<vmem>>
      %dma_start3A_434 = tpu.memref_squeeze %dma_start3A_433 : memref<1x128x64xf32, #tpu.memory_space<vmem>> -> memref<128x64xf32, #tpu.memory_space<vmem>>
      tpu.enqueue_dma source(%dma_start3A_434 : memref<128x64xf32, #tpu.memory_space<vmem>>) target(%dma_start3A_430 : memref<128x64xf32, #tpu.memory_space<hbm>>) target_semaphore(%arg22 : memref<!tpu.dma_semaphore, #tpu.memory_space<semaphore_mem>>)
      %add3A_435 = arith.constant 5 : i32
      %add3A_436 = arith.addi %add3A_407, %add3A_435 : i32
      %lt3A_437 = arith.constant 50 : i32
      %lt3A_438 = arith.cmpi slt, %add3A_436, %lt3A_437 : i32
      %convert_element_type3A_439 = arith.extui %lt3A_438 : i1 to i32
      %cond3A_440 = arith.constant 0 : i32
      %cond3A_441 = arith.cmpi ne, %convert_element_type3A_439, %cond3A_440 : i32
      scf.if %cond3A_441 {
        %ge3A = arith.constant 10 : i32
        %ge3A_594 = arith.cmpi sge, %add3A_436, %ge3A : i32
        %convert_element_type3A_595 = arith.extui %ge3A_594 : i1 to i32
        %cond3A_596 = arith.constant 0 : i32
        %cond3A_597 = arith.cmpi ne, %convert_element_type3A_595, %cond3A_596 : i32
        scf.if %cond3A_597 {
          %sub3A = arith.constant 10 : i32
          %sub3A_609 = arith.subi %add3A_436, %sub3A : i32
          %mul3A_610 = arith.constant 128 : i32
          %mul3A_611 = arith.muli %sub3A_609, %mul3A_610 : i32
          %add3A_612 = arith.addi %mul3A_2, %mul3A_611 : i32
          %dma_wait3A_613 = arith.constant 0 : i32
          %dma_wait3A_614 = arith.constant 0 : i32
          %dma_wait3A_615 = arith.constant 0 : i32
          %dma_wait3A_616 = tpu.memref_slice %arg6[%dma_wait3A_613, %dma_wait3A_614, %dma_wait3A_615] : memref<10x128x64xf32, #tpu.memory_space<vmem>> -> memref<1x128x64xf32, #tpu.memory_space<vmem>>
          %dma_wait3A_617 = tpu.memref_squeeze %dma_wait3A_616 : memref<1x128x64xf32, #tpu.memory_space<vmem>> -> memref<128x64xf32, #tpu.memory_space<vmem>>
          %dma_wait3A_618 = arith.constant 0 : i32
          %dma_wait3A_619 = tpu.memref_slice %arg4[%add3A_612, %dma_wait3A_618] : memref<204800x64xf32, #tpu.memory_space<hbm>> -> memref<128x64xf32, #tpu.memory_space<hbm>>
          %dma_wait3A_620 = arith.constant 0 : i32
          %dma_wait3A_621 = tpu.memref_slice %arg4[%add3A_612, %dma_wait3A_620] : memref<204800x64xf32, #tpu.memory_space<hbm>> -> memref<128x64xf32, #tpu.memory_space<hbm>>
          %dma_wait3A_622 = arith.constant 0 : i32
          %dma_wait3A_623 = arith.constant 0 : i32
          %dma_wait3A_624 = tpu.memref_slice %arg6[%dma_wait3A_613, %dma_wait3A_622, %dma_wait3A_623] : memref<10x128x64xf32, #tpu.memory_space<vmem>> -> memref<1x128x64xf32, #tpu.memory_space<vmem>>
          %dma_wait3A_625 = tpu.memref_squeeze %dma_wait3A_624 : memref<1x128x64xf32, #tpu.memory_space<vmem>> -> memref<128x64xf32, #tpu.memory_space<vmem>>
          tpu.wait_dma2 semaphore(%arg17 : memref<!tpu.dma_semaphore, #tpu.memory_space<semaphore_mem>>) src(%dma_wait3A_625 : memref<128x64xf32, #tpu.memory_space<vmem>>) dst(%dma_wait3A_621 : memref<128x64xf32, #tpu.memory_space<hbm>>)
        } else {
        }
        %dma_start3A_598 = arith.constant 0 : i32
        %dma_start3A_599 = arith.constant 0 : i32
        %dma_start3A_600 = arith.constant 0 : i32
        %dma_start3A_601 = tpu.memref_slice %arg6[%dma_start3A_598, %dma_start3A_599, %dma_start3A_600] : memref<10x128x64xf32, #tpu.memory_space<vmem>> -> memref<1x128x64xf32, #tpu.memory_space<vmem>>
        %dma_start3A_602 = tpu.memref_squeeze %dma_start3A_601 : memref<1x128x64xf32, #tpu.memory_space<vmem>> -> memref<128x64xf32, #tpu.memory_space<vmem>>
        %dma_start3A_603 = arith.constant 0 : i32
        %dma_start3A_604 = tpu.memref_slice %arg5[%add3A_436, %dma_start3A_603] : memref<50x128xi32, #tpu.memory_space<vmem>> -> memref<1x128xi32, #tpu.memory_space<vmem>>
        %dma_start3A_605 = tpu.memref_squeeze %dma_start3A_604 : memref<1x128xi32, #tpu.memory_space<vmem>> -> memref<128xi32, #tpu.memory_space<vmem>>
        %dma_start3A_606 = arith.constant 0 : i32
        %dma_start3A_607 = arith.constant 0 : i32
        %dma_start3A_608 = tpu.memref_slice %arg3[%dma_start3A_606, %dma_start3A_607] : memref<1000000x64xf32, #tpu.memory_space<hbm>> -> memref<1000000x64xf32, #tpu.memory_space<hbm>>
        tpu.enqueue_indirect_dma source(%dma_start3A_608 : memref<1000000x64xf32, #tpu.memory_space<hbm>>) target(%dma_start3A_602 : memref<128x64xf32, #tpu.memory_space<vmem>>) offsets(%dma_start3A_605 : memref<128xi32, #tpu.memory_space<vmem>>) semaphore(%arg7 : memref<!tpu.dma_semaphore, #tpu.memory_space<semaphore_mem>>)
      } else {
      }
      %mul3A_442 = arith.constant 10 : i32
      %mul3A_443 = arith.muli %scan3A_216, %mul3A_442 : i32
      %add3A_444 = arith.constant 6 : i32
      %add3A_445 = arith.addi %mul3A_443, %add3A_444 : i32
      %dma_wait3A_446 = arith.constant 6 : i32
      %dma_wait3A_447 = arith.constant 0 : i32
      %dma_wait3A_448 = arith.constant 0 : i32
      %dma_wait3A_449 = tpu.memref_slice %arg6[%dma_wait3A_446, %dma_wait3A_447, %dma_wait3A_448] : memref<10x128x64xf32, #tpu.memory_space<vmem>> -> memref<1x128x64xf32, #tpu.memory_space<vmem>>
      %dma_wait3A_450 = tpu.memref_squeeze %dma_wait3A_449 : memref<1x128x64xf32, #tpu.memory_space<vmem>> -> memref<128x64xf32, #tpu.memory_space<vmem>>
      %dma_wait3A_451 = arith.constant 0 : i32
      %dma_wait3A_452 = tpu.memref_slice %arg5[%add3A_445, %dma_wait3A_451] : memref<50x128xi32, #tpu.memory_space<vmem>> -> memref<1x128xi32, #tpu.memory_space<vmem>>
      %dma_wait3A_453 = tpu.memref_squeeze %dma_wait3A_452 : memref<1x128xi32, #tpu.memory_space<vmem>> -> memref<128xi32, #tpu.memory_space<vmem>>
      %dma_wait3A_454 = arith.constant 0 : i32
      %dma_wait3A_455 = arith.constant 0 : i32
      %dma_wait3A_456 = tpu.memref_slice %arg3[%dma_wait3A_454, %dma_wait3A_455] : memref<1000000x64xf32, #tpu.memory_space<hbm>> -> memref<1000000x64xf32, #tpu.memory_space<hbm>>
      tpu.wait_indirect_dma semaphore(%arg13 : memref<!tpu.dma_semaphore, #tpu.memory_space<semaphore_mem>>) src(%dma_wait3A_456 : memref<1000000x64xf32, #tpu.memory_space<hbm>>) dst(%dma_wait3A_450 : memref<128x64xf32, #tpu.memory_space<vmem>>)
      %mul3A_457 = arith.constant 128 : i32
      %mul3A_458 = arith.muli %add3A_445, %mul3A_457 : i32
      %add3A_459 = arith.addi %mul3A_2, %mul3A_458 : i32
      %dma_start3A_460 = arith.constant 6 : i32
      %dma_start3A_461 = arith.constant 0 : i32
      %dma_start3A_462 = arith.constant 0 : i32
      %dma_start3A_463 = tpu.memref_slice %arg6[%dma_start3A_460, %dma_start3A_461, %dma_start3A_462] : memref<10x128x64xf32, #tpu.memory_space<vmem>> -> memref<1x128x64xf32, #tpu.memory_space<vmem>>
      %dma_start3A_464 = tpu.memref_squeeze %dma_start3A_463 : memref<1x128x64xf32, #tpu.memory_space<vmem>> -> memref<128x64xf32, #tpu.memory_space<vmem>>
      %dma_start3A_465 = arith.constant 0 : i32
      %dma_start3A_466 = tpu.memref_slice %arg4[%add3A_459, %dma_start3A_465] : memref<204800x64xf32, #tpu.memory_space<hbm>> -> memref<128x64xf32, #tpu.memory_space<hbm>>
      %dma_start3A_467 = arith.constant 0 : i32
      %dma_start3A_468 = tpu.memref_slice %arg4[%add3A_459, %dma_start3A_467] : memref<204800x64xf32, #tpu.memory_space<hbm>> -> memref<128x64xf32, #tpu.memory_space<hbm>>
      %dma_start3A_469 = arith.constant 0 : i32
      %dma_start3A_470 = arith.constant 0 : i32
      %dma_start3A_471 = tpu.memref_slice %arg6[%dma_start3A_460, %dma_start3A_469, %dma_start3A_470] : memref<10x128x64xf32, #tpu.memory_space<vmem>> -> memref<1x128x64xf32, #tpu.memory_space<vmem>>
      %dma_start3A_472 = tpu.memref_squeeze %dma_start3A_471 : memref<1x128x64xf32, #tpu.memory_space<vmem>> -> memref<128x64xf32, #tpu.memory_space<vmem>>
      tpu.enqueue_dma source(%dma_start3A_472 : memref<128x64xf32, #tpu.memory_space<vmem>>) target(%dma_start3A_468 : memref<128x64xf32, #tpu.memory_space<hbm>>) target_semaphore(%arg23 : memref<!tpu.dma_semaphore, #tpu.memory_space<semaphore_mem>>)
      %add3A_473 = arith.constant 5 : i32
      %add3A_474 = arith.addi %add3A_445, %add3A_473 : i32
      %lt3A_475 = arith.constant 50 : i32
      %lt3A_476 = arith.cmpi slt, %add3A_474, %lt3A_475 : i32
      %convert_element_type3A_477 = arith.extui %lt3A_476 : i1 to i32
      %cond3A_478 = arith.constant 0 : i32
      %cond3A_479 = arith.cmpi ne, %convert_element_type3A_477, %cond3A_478 : i32
      scf.if %cond3A_479 {
        %ge3A = arith.constant 10 : i32
        %ge3A_594 = arith.cmpi sge, %add3A_474, %ge3A : i32
        %convert_element_type3A_595 = arith.extui %ge3A_594 : i1 to i32
        %cond3A_596 = arith.constant 0 : i32
        %cond3A_597 = arith.cmpi ne, %convert_element_type3A_595, %cond3A_596 : i32
        scf.if %cond3A_597 {
          %sub3A = arith.constant 10 : i32
          %sub3A_609 = arith.subi %add3A_474, %sub3A : i32
          %mul3A_610 = arith.constant 128 : i32
          %mul3A_611 = arith.muli %sub3A_609, %mul3A_610 : i32
          %add3A_612 = arith.addi %mul3A_2, %mul3A_611 : i32
          %dma_wait3A_613 = arith.constant 1 : i32
          %dma_wait3A_614 = arith.constant 0 : i32
          %dma_wait3A_615 = arith.constant 0 : i32
          %dma_wait3A_616 = tpu.memref_slice %arg6[%dma_wait3A_613, %dma_wait3A_614, %dma_wait3A_615] : memref<10x128x64xf32, #tpu.memory_space<vmem>> -> memref<1x128x64xf32, #tpu.memory_space<vmem>>
          %dma_wait3A_617 = tpu.memref_squeeze %dma_wait3A_616 : memref<1x128x64xf32, #tpu.memory_space<vmem>> -> memref<128x64xf32, #tpu.memory_space<vmem>>
          %dma_wait3A_618 = arith.constant 0 : i32
          %dma_wait3A_619 = tpu.memref_slice %arg4[%add3A_612, %dma_wait3A_618] : memref<204800x64xf32, #tpu.memory_space<hbm>> -> memref<128x64xf32, #tpu.memory_space<hbm>>
          %dma_wait3A_620 = arith.constant 0 : i32
          %dma_wait3A_621 = tpu.memref_slice %arg4[%add3A_612, %dma_wait3A_620] : memref<204800x64xf32, #tpu.memory_space<hbm>> -> memref<128x64xf32, #tpu.memory_space<hbm>>
          %dma_wait3A_622 = arith.constant 0 : i32
          %dma_wait3A_623 = arith.constant 0 : i32
          %dma_wait3A_624 = tpu.memref_slice %arg6[%dma_wait3A_613, %dma_wait3A_622, %dma_wait3A_623] : memref<10x128x64xf32, #tpu.memory_space<vmem>> -> memref<1x128x64xf32, #tpu.memory_space<vmem>>
          %dma_wait3A_625 = tpu.memref_squeeze %dma_wait3A_624 : memref<1x128x64xf32, #tpu.memory_space<vmem>> -> memref<128x64xf32, #tpu.memory_space<vmem>>
          tpu.wait_dma2 semaphore(%arg18 : memref<!tpu.dma_semaphore, #tpu.memory_space<semaphore_mem>>) src(%dma_wait3A_625 : memref<128x64xf32, #tpu.memory_space<vmem>>) dst(%dma_wait3A_621 : memref<128x64xf32, #tpu.memory_space<hbm>>)
        } else {
        }
        %dma_start3A_598 = arith.constant 1 : i32
        %dma_start3A_599 = arith.constant 0 : i32
        %dma_start3A_600 = arith.constant 0 : i32
        %dma_start3A_601 = tpu.memref_slice %arg6[%dma_start3A_598, %dma_start3A_599, %dma_start3A_600] : memref<10x128x64xf32, #tpu.memory_space<vmem>> -> memref<1x128x64xf32, #tpu.memory_space<vmem>>
        %dma_start3A_602 = tpu.memref_squeeze %dma_start3A_601 : memref<1x128x64xf32, #tpu.memory_space<vmem>> -> memref<128x64xf32, #tpu.memory_space<vmem>>
        %dma_start3A_603 = arith.constant 0 : i32
        %dma_start3A_604 = tpu.memref_slice %arg5[%add3A_474, %dma_start3A_603] : memref<50x128xi32, #tpu.memory_space<vmem>> -> memref<1x128xi32, #tpu.memory_space<vmem>>
        %dma_start3A_605 = tpu.memref_squeeze %dma_start3A_604 : memref<1x128xi32, #tpu.memory_space<vmem>> -> memref<128xi32, #tpu.memory_space<vmem>>
        %dma_start3A_606 = arith.constant 0 : i32
        %dma_start3A_607 = arith.constant 0 : i32
        %dma_start3A_608 = tpu.memref_slice %arg3[%dma_start3A_606, %dma_start3A_607] : memref<1000000x64xf32, #tpu.memory_space<hbm>> -> memref<1000000x64xf32, #tpu.memory_space<hbm>>
        tpu.enqueue_indirect_dma source(%dma_start3A_608 : memref<1000000x64xf32, #tpu.memory_space<hbm>>) target(%dma_start3A_602 : memref<128x64xf32, #tpu.memory_space<vmem>>) offsets(%dma_start3A_605 : memref<128xi32, #tpu.memory_space<vmem>>) semaphore(%arg8 : memref<!tpu.dma_semaphore, #tpu.memory_space<semaphore_mem>>)
      } else {
      }
      %mul3A_480 = arith.constant 10 : i32
      %mul3A_481 = arith.muli %scan3A_216, %mul3A_480 : i32
      %add3A_482 = arith.constant 7 : i32
      %add3A_483 = arith.addi %mul3A_481, %add3A_482 : i32
      %dma_wait3A_484 = arith.constant 7 : i32
      %dma_wait3A_485 = arith.constant 0 : i32
      %dma_wait3A_486 = arith.constant 0 : i32
      %dma_wait3A_487 = tpu.memref_slice %arg6[%dma_wait3A_484, %dma_wait3A_485, %dma_wait3A_486] : memref<10x128x64xf32, #tpu.memory_space<vmem>> -> memref<1x128x64xf32, #tpu.memory_space<vmem>>
      %dma_wait3A_488 = tpu.memref_squeeze %dma_wait3A_487 : memref<1x128x64xf32, #tpu.memory_space<vmem>> -> memref<128x64xf32, #tpu.memory_space<vmem>>
      %dma_wait3A_489 = arith.constant 0 : i32
      %dma_wait3A_490 = tpu.memref_slice %arg5[%add3A_483, %dma_wait3A_489] : memref<50x128xi32, #tpu.memory_space<vmem>> -> memref<1x128xi32, #tpu.memory_space<vmem>>
      %dma_wait3A_491 = tpu.memref_squeeze %dma_wait3A_490 : memref<1x128xi32, #tpu.memory_space<vmem>> -> memref<128xi32, #tpu.memory_space<vmem>>
      %dma_wait3A_492 = arith.constant 0 : i32
      %dma_wait3A_493 = arith.constant 0 : i32
      %dma_wait3A_494 = tpu.memref_slice %arg3[%dma_wait3A_492, %dma_wait3A_493] : memref<1000000x64xf32, #tpu.memory_space<hbm>> -> memref<1000000x64xf32, #tpu.memory_space<hbm>>
      tpu.wait_indirect_dma semaphore(%arg14 : memref<!tpu.dma_semaphore, #tpu.memory_space<semaphore_mem>>) src(%dma_wait3A_494 : memref<1000000x64xf32, #tpu.memory_space<hbm>>) dst(%dma_wait3A_488 : memref<128x64xf32, #tpu.memory_space<vmem>>)
      %mul3A_495 = arith.constant 128 : i32
      %mul3A_496 = arith.muli %add3A_483, %mul3A_495 : i32
      %add3A_497 = arith.addi %mul3A_2, %mul3A_496 : i32
      %dma_start3A_498 = arith.constant 7 : i32
      %dma_start3A_499 = arith.constant 0 : i32
      %dma_start3A_500 = arith.constant 0 : i32
      %dma_start3A_501 = tpu.memref_slice %arg6[%dma_start3A_498, %dma_start3A_499, %dma_start3A_500] : memref<10x128x64xf32, #tpu.memory_space<vmem>> -> memref<1x128x64xf32, #tpu.memory_space<vmem>>
      %dma_start3A_502 = tpu.memref_squeeze %dma_start3A_501 : memref<1x128x64xf32, #tpu.memory_space<vmem>> -> memref<128x64xf32, #tpu.memory_space<vmem>>
      %dma_start3A_503 = arith.constant 0 : i32
      %dma_start3A_504 = tpu.memref_slice %arg4[%add3A_497, %dma_start3A_503] : memref<204800x64xf32, #tpu.memory_space<hbm>> -> memref<128x64xf32, #tpu.memory_space<hbm>>
      %dma_start3A_505 = arith.constant 0 : i32
      %dma_start3A_506 = tpu.memref_slice %arg4[%add3A_497, %dma_start3A_505] : memref<204800x64xf32, #tpu.memory_space<hbm>> -> memref<128x64xf32, #tpu.memory_space<hbm>>
      %dma_start3A_507 = arith.constant 0 : i32
      %dma_start3A_508 = arith.constant 0 : i32
      %dma_start3A_509 = tpu.memref_slice %arg6[%dma_start3A_498, %dma_start3A_507, %dma_start3A_508] : memref<10x128x64xf32, #tpu.memory_space<vmem>> -> memref<1x128x64xf32, #tpu.memory_space<vmem>>
      %dma_start3A_510 = tpu.memref_squeeze %dma_start3A_509 : memref<1x128x64xf32, #tpu.memory_space<vmem>> -> memref<128x64xf32, #tpu.memory_space<vmem>>
      tpu.enqueue_dma source(%dma_start3A_510 : memref<128x64xf32, #tpu.memory_space<vmem>>) target(%dma_start3A_506 : memref<128x64xf32, #tpu.memory_space<hbm>>) target_semaphore(%arg24 : memref<!tpu.dma_semaphore, #tpu.memory_space<semaphore_mem>>)
      %add3A_511 = arith.constant 5 : i32
      %add3A_512 = arith.addi %add3A_483, %add3A_511 : i32
      %lt3A_513 = arith.constant 50 : i32
      %lt3A_514 = arith.cmpi slt, %add3A_512, %lt3A_513 : i32
      %convert_element_type3A_515 = arith.extui %lt3A_514 : i1 to i32
      %cond3A_516 = arith.constant 0 : i32
      %cond3A_517 = arith.cmpi ne, %convert_element_type3A_515, %cond3A_516 : i32
      scf.if %cond3A_517 {
        %ge3A = arith.constant 10 : i32
        %ge3A_594 = arith.cmpi sge, %add3A_512, %ge3A : i32
        %convert_element_type3A_595 = arith.extui %ge3A_594 : i1 to i32
        %cond3A_596 = arith.constant 0 : i32
        %cond3A_597 = arith.cmpi ne, %convert_element_type3A_595, %cond3A_596 : i32
        scf.if %cond3A_597 {
          %sub3A = arith.constant 10 : i32
          %sub3A_609 = arith.subi %add3A_512, %sub3A : i32
          %mul3A_610 = arith.constant 128 : i32
          %mul3A_611 = arith.muli %sub3A_609, %mul3A_610 : i32
          %add3A_612 = arith.addi %mul3A_2, %mul3A_611 : i32
          %dma_wait3A_613 = arith.constant 2 : i32
          %dma_wait3A_614 = arith.constant 0 : i32
          %dma_wait3A_615 = arith.constant 0 : i32
          %dma_wait3A_616 = tpu.memref_slice %arg6[%dma_wait3A_613, %dma_wait3A_614, %dma_wait3A_615] : memref<10x128x64xf32, #tpu.memory_space<vmem>> -> memref<1x128x64xf32, #tpu.memory_space<vmem>>
          %dma_wait3A_617 = tpu.memref_squeeze %dma_wait3A_616 : memref<1x128x64xf32, #tpu.memory_space<vmem>> -> memref<128x64xf32, #tpu.memory_space<vmem>>
          %dma_wait3A_618 = arith.constant 0 : i32
          %dma_wait3A_619 = tpu.memref_slice %arg4[%add3A_612, %dma_wait3A_618] : memref<204800x64xf32, #tpu.memory_space<hbm>> -> memref<128x64xf32, #tpu.memory_space<hbm>>
          %dma_wait3A_620 = arith.constant 0 : i32
          %dma_wait3A_621 = tpu.memref_slice %arg4[%add3A_612, %dma_wait3A_620] : memref<204800x64xf32, #tpu.memory_space<hbm>> -> memref<128x64xf32, #tpu.memory_space<hbm>>
          %dma_wait3A_622 = arith.constant 0 : i32
          %dma_wait3A_623 = arith.constant 0 : i32
          %dma_wait3A_624 = tpu.memref_slice %arg6[%dma_wait3A_613, %dma_wait3A_622, %dma_wait3A_623] : memref<10x128x64xf32, #tpu.memory_space<vmem>> -> memref<1x128x64xf32, #tpu.memory_space<vmem>>
          %dma_wait3A_625 = tpu.memref_squeeze %dma_wait3A_624 : memref<1x128x64xf32, #tpu.memory_space<vmem>> -> memref<128x64xf32, #tpu.memory_space<vmem>>
          tpu.wait_dma2 semaphore(%arg19 : memref<!tpu.dma_semaphore, #tpu.memory_space<semaphore_mem>>) src(%dma_wait3A_625 : memref<128x64xf32, #tpu.memory_space<vmem>>) dst(%dma_wait3A_621 : memref<128x64xf32, #tpu.memory_space<hbm>>)
        } else {
        }
        %dma_start3A_598 = arith.constant 2 : i32
        %dma_start3A_599 = arith.constant 0 : i32
        %dma_start3A_600 = arith.constant 0 : i32
        %dma_start3A_601 = tpu.memref_slice %arg6[%dma_start3A_598, %dma_start3A_599, %dma_start3A_600] : memref<10x128x64xf32, #tpu.memory_space<vmem>> -> memref<1x128x64xf32, #tpu.memory_space<vmem>>
        %dma_start3A_602 = tpu.memref_squeeze %dma_start3A_601 : memref<1x128x64xf32, #tpu.memory_space<vmem>> -> memref<128x64xf32, #tpu.memory_space<vmem>>
        %dma_start3A_603 = arith.constant 0 : i32
        %dma_start3A_604 = tpu.memref_slice %arg5[%add3A_512, %dma_start3A_603] : memref<50x128xi32, #tpu.memory_space<vmem>> -> memref<1x128xi32, #tpu.memory_space<vmem>>
        %dma_start3A_605 = tpu.memref_squeeze %dma_start3A_604 : memref<1x128xi32, #tpu.memory_space<vmem>> -> memref<128xi32, #tpu.memory_space<vmem>>
        %dma_start3A_606 = arith.constant 0 : i32
        %dma_start3A_607 = arith.constant 0 : i32
        %dma_start3A_608 = tpu.memref_slice %arg3[%dma_start3A_606, %dma_start3A_607] : memref<1000000x64xf32, #tpu.memory_space<hbm>> -> memref<1000000x64xf32, #tpu.memory_space<hbm>>
        tpu.enqueue_indirect_dma source(%dma_start3A_608 : memref<1000000x64xf32, #tpu.memory_space<hbm>>) target(%dma_start3A_602 : memref<128x64xf32, #tpu.memory_space<vmem>>) offsets(%dma_start3A_605 : memref<128xi32, #tpu.memory_space<vmem>>) semaphore(%arg9 : memref<!tpu.dma_semaphore, #tpu.memory_space<semaphore_mem>>)
      } else {
      }
      %mul3A_518 = arith.constant 10 : i32
      %mul3A_519 = arith.muli %scan3A_216, %mul3A_518 : i32
      %add3A_520 = arith.constant 8 : i32
      %add3A_521 = arith.addi %mul3A_519, %add3A_520 : i32
      %dma_wait3A_522 = arith.constant 8 : i32
      %dma_wait3A_523 = arith.constant 0 : i32
      %dma_wait3A_524 = arith.constant 0 : i32
      %dma_wait3A_525 = tpu.memref_slice %arg6[%dma_wait3A_522, %dma_wait3A_523, %dma_wait3A_524] : memref<10x128x64xf32, #tpu.memory_space<vmem>> -> memref<1x128x64xf32, #tpu.memory_space<vmem>>
      %dma_wait3A_526 = tpu.memref_squeeze %dma_wait3A_525 : memref<1x128x64xf32, #tpu.memory_space<vmem>> -> memref<128x64xf32, #tpu.memory_space<vmem>>
      %dma_wait3A_527 = arith.constant 0 : i32
      %dma_wait3A_528 = tpu.memref_slice %arg5[%add3A_521, %dma_wait3A_527] : memref<50x128xi32, #tpu.memory_space<vmem>> -> memref<1x128xi32, #tpu.memory_space<vmem>>
      %dma_wait3A_529 = tpu.memref_squeeze %dma_wait3A_528 : memref<1x128xi32, #tpu.memory_space<vmem>> -> memref<128xi32, #tpu.memory_space<vmem>>
      %dma_wait3A_530 = arith.constant 0 : i32
      %dma_wait3A_531 = arith.constant 0 : i32
      %dma_wait3A_532 = tpu.memref_slice %arg3[%dma_wait3A_530, %dma_wait3A_531] : memref<1000000x64xf32, #tpu.memory_space<hbm>> -> memref<1000000x64xf32, #tpu.memory_space<hbm>>
      tpu.wait_indirect_dma semaphore(%arg15 : memref<!tpu.dma_semaphore, #tpu.memory_space<semaphore_mem>>) src(%dma_wait3A_532 : memref<1000000x64xf32, #tpu.memory_space<hbm>>) dst(%dma_wait3A_526 : memref<128x64xf32, #tpu.memory_space<vmem>>)
      %mul3A_533 = arith.constant 128 : i32
      %mul3A_534 = arith.muli %add3A_521, %mul3A_533 : i32
      %add3A_535 = arith.addi %mul3A_2, %mul3A_534 : i32
      %dma_start3A_536 = arith.constant 8 : i32
      %dma_start3A_537 = arith.constant 0 : i32
      %dma_start3A_538 = arith.constant 0 : i32
      %dma_start3A_539 = tpu.memref_slice %arg6[%dma_start3A_536, %dma_start3A_537, %dma_start3A_538] : memref<10x128x64xf32, #tpu.memory_space<vmem>> -> memref<1x128x64xf32, #tpu.memory_space<vmem>>
      %dma_start3A_540 = tpu.memref_squeeze %dma_start3A_539 : memref<1x128x64xf32, #tpu.memory_space<vmem>> -> memref<128x64xf32, #tpu.memory_space<vmem>>
      %dma_start3A_541 = arith.constant 0 : i32
      %dma_start3A_542 = tpu.memref_slice %arg4[%add3A_535, %dma_start3A_541] : memref<204800x64xf32, #tpu.memory_space<hbm>> -> memref<128x64xf32, #tpu.memory_space<hbm>>
      %dma_start3A_543 = arith.constant 0 : i32
      %dma_start3A_544 = tpu.memref_slice %arg4[%add3A_535, %dma_start3A_543] : memref<204800x64xf32, #tpu.memory_space<hbm>> -> memref<128x64xf32, #tpu.memory_space<hbm>>
      %dma_start3A_545 = arith.constant 0 : i32
      %dma_start3A_546 = arith.constant 0 : i32
      %dma_start3A_547 = tpu.memref_slice %arg6[%dma_start3A_536, %dma_start3A_545, %dma_start3A_546] : memref<10x128x64xf32, #tpu.memory_space<vmem>> -> memref<1x128x64xf32, #tpu.memory_space<vmem>>
      %dma_start3A_548 = tpu.memref_squeeze %dma_start3A_547 : memref<1x128x64xf32, #tpu.memory_space<vmem>> -> memref<128x64xf32, #tpu.memory_space<vmem>>
      tpu.enqueue_dma source(%dma_start3A_548 : memref<128x64xf32, #tpu.memory_space<vmem>>) target(%dma_start3A_544 : memref<128x64xf32, #tpu.memory_space<hbm>>) target_semaphore(%arg25 : memref<!tpu.dma_semaphore, #tpu.memory_space<semaphore_mem>>)
      %add3A_549 = arith.constant 5 : i32
      %add3A_550 = arith.addi %add3A_521, %add3A_549 : i32
      %lt3A_551 = arith.constant 50 : i32
      %lt3A_552 = arith.cmpi slt, %add3A_550, %lt3A_551 : i32
      %convert_element_type3A_553 = arith.extui %lt3A_552 : i1 to i32
      %cond3A_554 = arith.constant 0 : i32
      %cond3A_555 = arith.cmpi ne, %convert_element_type3A_553, %cond3A_554 : i32
      scf.if %cond3A_555 {
        %ge3A = arith.constant 10 : i32
        %ge3A_594 = arith.cmpi sge, %add3A_550, %ge3A : i32
        %convert_element_type3A_595 = arith.extui %ge3A_594 : i1 to i32
        %cond3A_596 = arith.constant 0 : i32
        %cond3A_597 = arith.cmpi ne, %convert_element_type3A_595, %cond3A_596 : i32
        scf.if %cond3A_597 {
          %sub3A = arith.constant 10 : i32
          %sub3A_609 = arith.subi %add3A_550, %sub3A : i32
          %mul3A_610 = arith.constant 128 : i32
          %mul3A_611 = arith.muli %sub3A_609, %mul3A_610 : i32
          %add3A_612 = arith.addi %mul3A_2, %mul3A_611 : i32
          %dma_wait3A_613 = arith.constant 3 : i32
          %dma_wait3A_614 = arith.constant 0 : i32
          %dma_wait3A_615 = arith.constant 0 : i32
          %dma_wait3A_616 = tpu.memref_slice %arg6[%dma_wait3A_613, %dma_wait3A_614, %dma_wait3A_615] : memref<10x128x64xf32, #tpu.memory_space<vmem>> -> memref<1x128x64xf32, #tpu.memory_space<vmem>>
          %dma_wait3A_617 = tpu.memref_squeeze %dma_wait3A_616 : memref<1x128x64xf32, #tpu.memory_space<vmem>> -> memref<128x64xf32, #tpu.memory_space<vmem>>
          %dma_wait3A_618 = arith.constant 0 : i32
          %dma_wait3A_619 = tpu.memref_slice %arg4[%add3A_612, %dma_wait3A_618] : memref<204800x64xf32, #tpu.memory_space<hbm>> -> memref<128x64xf32, #tpu.memory_space<hbm>>
          %dma_wait3A_620 = arith.constant 0 : i32
          %dma_wait3A_621 = tpu.memref_slice %arg4[%add3A_612, %dma_wait3A_620] : memref<204800x64xf32, #tpu.memory_space<hbm>> -> memref<128x64xf32, #tpu.memory_space<hbm>>
          %dma_wait3A_622 = arith.constant 0 : i32
          %dma_wait3A_623 = arith.constant 0 : i32
          %dma_wait3A_624 = tpu.memref_slice %arg6[%dma_wait3A_613, %dma_wait3A_622, %dma_wait3A_623] : memref<10x128x64xf32, #tpu.memory_space<vmem>> -> memref<1x128x64xf32, #tpu.memory_space<vmem>>
          %dma_wait3A_625 = tpu.memref_squeeze %dma_wait3A_624 : memref<1x128x64xf32, #tpu.memory_space<vmem>> -> memref<128x64xf32, #tpu.memory_space<vmem>>
          tpu.wait_dma2 semaphore(%arg20 : memref<!tpu.dma_semaphore, #tpu.memory_space<semaphore_mem>>) src(%dma_wait3A_625 : memref<128x64xf32, #tpu.memory_space<vmem>>) dst(%dma_wait3A_621 : memref<128x64xf32, #tpu.memory_space<hbm>>)
        } else {
        }
        %dma_start3A_598 = arith.constant 3 : i32
        %dma_start3A_599 = arith.constant 0 : i32
        %dma_start3A_600 = arith.constant 0 : i32
        %dma_start3A_601 = tpu.memref_slice %arg6[%dma_start3A_598, %dma_start3A_599, %dma_start3A_600] : memref<10x128x64xf32, #tpu.memory_space<vmem>> -> memref<1x128x64xf32, #tpu.memory_space<vmem>>
        %dma_start3A_602 = tpu.memref_squeeze %dma_start3A_601 : memref<1x128x64xf32, #tpu.memory_space<vmem>> -> memref<128x64xf32, #tpu.memory_space<vmem>>
        %dma_start3A_603 = arith.constant 0 : i32
        %dma_start3A_604 = tpu.memref_slice %arg5[%add3A_550, %dma_start3A_603] : memref<50x128xi32, #tpu.memory_space<vmem>> -> memref<1x128xi32, #tpu.memory_space<vmem>>
        %dma_start3A_605 = tpu.memref_squeeze %dma_start3A_604 : memref<1x128xi32, #tpu.memory_space<vmem>> -> memref<128xi32, #tpu.memory_space<vmem>>
        %dma_start3A_606 = arith.constant 0 : i32
        %dma_start3A_607 = arith.constant 0 : i32
        %dma_start3A_608 = tpu.memref_slice %arg3[%dma_start3A_606, %dma_start3A_607] : memref<1000000x64xf32, #tpu.memory_space<hbm>> -> memref<1000000x64xf32, #tpu.memory_space<hbm>>
        tpu.enqueue_indirect_dma source(%dma_start3A_608 : memref<1000000x64xf32, #tpu.memory_space<hbm>>) target(%dma_start3A_602 : memref<128x64xf32, #tpu.memory_space<vmem>>) offsets(%dma_start3A_605 : memref<128xi32, #tpu.memory_space<vmem>>) semaphore(%arg10 : memref<!tpu.dma_semaphore, #tpu.memory_space<semaphore_mem>>)
      } else {
      }
      %mul3A_556 = arith.constant 10 : i32
      %mul3A_557 = arith.muli %scan3A_216, %mul3A_556 : i32
      %add3A_558 = arith.constant 9 : i32
      %add3A_559 = arith.addi %mul3A_557, %add3A_558 : i32
      %dma_wait3A_560 = arith.constant 9 : i32
      %dma_wait3A_561 = arith.constant 0 : i32
      %dma_wait3A_562 = arith.constant 0 : i32
      %dma_wait3A_563 = tpu.memref_slice %arg6[%dma_wait3A_560, %dma_wait3A_561, %dma_wait3A_562] : memref<10x128x64xf32, #tpu.memory_space<vmem>> -> memref<1x128x64xf32, #tpu.memory_space<vmem>>
      %dma_wait3A_564 = tpu.memref_squeeze %dma_wait3A_563 : memref<1x128x64xf32, #tpu.memory_space<vmem>> -> memref<128x64xf32, #tpu.memory_space<vmem>>
      %dma_wait3A_565 = arith.constant 0 : i32
      %dma_wait3A_566 = tpu.memref_slice %arg5[%add3A_559, %dma_wait3A_565] : memref<50x128xi32, #tpu.memory_space<vmem>> -> memref<1x128xi32, #tpu.memory_space<vmem>>
      %dma_wait3A_567 = tpu.memref_squeeze %dma_wait3A_566 : memref<1x128xi32, #tpu.memory_space<vmem>> -> memref<128xi32, #tpu.memory_space<vmem>>
      %dma_wait3A_568 = arith.constant 0 : i32
      %dma_wait3A_569 = arith.constant 0 : i32
      %dma_wait3A_570 = tpu.memref_slice %arg3[%dma_wait3A_568, %dma_wait3A_569] : memref<1000000x64xf32, #tpu.memory_space<hbm>> -> memref<1000000x64xf32, #tpu.memory_space<hbm>>
      tpu.wait_indirect_dma semaphore(%arg16 : memref<!tpu.dma_semaphore, #tpu.memory_space<semaphore_mem>>) src(%dma_wait3A_570 : memref<1000000x64xf32, #tpu.memory_space<hbm>>) dst(%dma_wait3A_564 : memref<128x64xf32, #tpu.memory_space<vmem>>)
      %mul3A_571 = arith.constant 128 : i32
      %mul3A_572 = arith.muli %add3A_559, %mul3A_571 : i32
      %add3A_573 = arith.addi %mul3A_2, %mul3A_572 : i32
      %dma_start3A_574 = arith.constant 9 : i32
      %dma_start3A_575 = arith.constant 0 : i32
      %dma_start3A_576 = arith.constant 0 : i32
      %dma_start3A_577 = tpu.memref_slice %arg6[%dma_start3A_574, %dma_start3A_575, %dma_start3A_576] : memref<10x128x64xf32, #tpu.memory_space<vmem>> -> memref<1x128x64xf32, #tpu.memory_space<vmem>>
      %dma_start3A_578 = tpu.memref_squeeze %dma_start3A_577 : memref<1x128x64xf32, #tpu.memory_space<vmem>> -> memref<128x64xf32, #tpu.memory_space<vmem>>
      %dma_start3A_579 = arith.constant 0 : i32
      %dma_start3A_580 = tpu.memref_slice %arg4[%add3A_573, %dma_start3A_579] : memref<204800x64xf32, #tpu.memory_space<hbm>> -> memref<128x64xf32, #tpu.memory_space<hbm>>
      %dma_start3A_581 = arith.constant 0 : i32
      %dma_start3A_582 = tpu.memref_slice %arg4[%add3A_573, %dma_start3A_581] : memref<204800x64xf32, #tpu.memory_space<hbm>> -> memref<128x64xf32, #tpu.memory_space<hbm>>
      %dma_start3A_583 = arith.constant 0 : i32
      %dma_start3A_584 = arith.constant 0 : i32
      %dma_start3A_585 = tpu.memref_slice %arg6[%dma_start3A_574, %dma_start3A_583, %dma_start3A_584] : memref<10x128x64xf32, #tpu.memory_space<vmem>> -> memref<1x128x64xf32, #tpu.memory_space<vmem>>
      %dma_start3A_586 = tpu.memref_squeeze %dma_start3A_585 : memref<1x128x64xf32, #tpu.memory_space<vmem>> -> memref<128x64xf32, #tpu.memory_space<vmem>>
      tpu.enqueue_dma source(%dma_start3A_586 : memref<128x64xf32, #tpu.memory_space<vmem>>) target(%dma_start3A_582 : memref<128x64xf32, #tpu.memory_space<hbm>>) target_semaphore(%arg26 : memref<!tpu.dma_semaphore, #tpu.memory_space<semaphore_mem>>)
      %add3A_587 = arith.constant 5 : i32
      %add3A_588 = arith.addi %add3A_559, %add3A_587 : i32
      %lt3A_589 = arith.constant 50 : i32
      %lt3A_590 = arith.cmpi slt, %add3A_588, %lt3A_589 : i32
      %convert_element_type3A_591 = arith.extui %lt3A_590 : i1 to i32
      %cond3A_592 = arith.constant 0 : i32
      %cond3A_593 = arith.cmpi ne, %convert_element_type3A_591, %cond3A_592 : i32
      scf.if %cond3A_593 {
        %ge3A = arith.constant 10 : i32
        %ge3A_594 = arith.cmpi sge, %add3A_588, %ge3A : i32
        %convert_element_type3A_595 = arith.extui %ge3A_594 : i1 to i32
        %cond3A_596 = arith.constant 0 : i32
        %cond3A_597 = arith.cmpi ne, %convert_element_type3A_595, %cond3A_596 : i32
        scf.if %cond3A_597 {
          %sub3A = arith.constant 10 : i32
          %sub3A_609 = arith.subi %add3A_588, %sub3A : i32
          %mul3A_610 = arith.constant 128 : i32
          %mul3A_611 = arith.muli %sub3A_609, %mul3A_610 : i32
          %add3A_612 = arith.addi %mul3A_2, %mul3A_611 : i32
          %dma_wait3A_613 = arith.constant 4 : i32
          %dma_wait3A_614 = arith.constant 0 : i32
          %dma_wait3A_615 = arith.constant 0 : i32
          %dma_wait3A_616 = tpu.memref_slice %arg6[%dma_wait3A_613, %dma_wait3A_614, %dma_wait3A_615] : memref<10x128x64xf32, #tpu.memory_space<vmem>> -> memref<1x128x64xf32, #tpu.memory_space<vmem>>
          %dma_wait3A_617 = tpu.memref_squeeze %dma_wait3A_616 : memref<1x128x64xf32, #tpu.memory_space<vmem>> -> memref<128x64xf32, #tpu.memory_space<vmem>>
          %dma_wait3A_618 = arith.constant 0 : i32
          %dma_wait3A_619 = tpu.memref_slice %arg4[%add3A_612, %dma_wait3A_618] : memref<204800x64xf32, #tpu.memory_space<hbm>> -> memref<128x64xf32, #tpu.memory_space<hbm>>
          %dma_wait3A_620 = arith.constant 0 : i32
          %dma_wait3A_621 = tpu.memref_slice %arg4[%add3A_612, %dma_wait3A_620] : memref<204800x64xf32, #tpu.memory_space<hbm>> -> memref<128x64xf32, #tpu.memory_space<hbm>>
          %dma_wait3A_622 = arith.constant 0 : i32
          %dma_wait3A_623 = arith.constant 0 : i32
          %dma_wait3A_624 = tpu.memref_slice %arg6[%dma_wait3A_613, %dma_wait3A_622, %dma_wait3A_623] : memref<10x128x64xf32, #tpu.memory_space<vmem>> -> memref<1x128x64xf32, #tpu.memory_space<vmem>>
          %dma_wait3A_625 = tpu.memref_squeeze %dma_wait3A_624 : memref<1x128x64xf32, #tpu.memory_space<vmem>> -> memref<128x64xf32, #tpu.memory_space<vmem>>
          tpu.wait_dma2 semaphore(%arg21 : memref<!tpu.dma_semaphore, #tpu.memory_space<semaphore_mem>>) src(%dma_wait3A_625 : memref<128x64xf32, #tpu.memory_space<vmem>>) dst(%dma_wait3A_621 : memref<128x64xf32, #tpu.memory_space<hbm>>)
        } else {
        }
        %dma_start3A_598 = arith.constant 4 : i32
        %dma_start3A_599 = arith.constant 0 : i32
        %dma_start3A_600 = arith.constant 0 : i32
        %dma_start3A_601 = tpu.memref_slice %arg6[%dma_start3A_598, %dma_start3A_599, %dma_start3A_600] : memref<10x128x64xf32, #tpu.memory_space<vmem>> -> memref<1x128x64xf32, #tpu.memory_space<vmem>>
        %dma_start3A_602 = tpu.memref_squeeze %dma_start3A_601 : memref<1x128x64xf32, #tpu.memory_space<vmem>> -> memref<128x64xf32, #tpu.memory_space<vmem>>
        %dma_start3A_603 = arith.constant 0 : i32
        %dma_start3A_604 = tpu.memref_slice %arg5[%add3A_588, %dma_start3A_603] : memref<50x128xi32, #tpu.memory_space<vmem>> -> memref<1x128xi32, #tpu.memory_space<vmem>>
        %dma_start3A_605 = tpu.memref_squeeze %dma_start3A_604 : memref<1x128xi32, #tpu.memory_space<vmem>> -> memref<128xi32, #tpu.memory_space<vmem>>
        %dma_start3A_606 = arith.constant 0 : i32
        %dma_start3A_607 = arith.constant 0 : i32
        %dma_start3A_608 = tpu.memref_slice %arg3[%dma_start3A_606, %dma_start3A_607] : memref<1000000x64xf32, #tpu.memory_space<hbm>> -> memref<1000000x64xf32, #tpu.memory_space<hbm>>
        tpu.enqueue_indirect_dma source(%dma_start3A_608 : memref<1000000x64xf32, #tpu.memory_space<hbm>>) target(%dma_start3A_602 : memref<128x64xf32, #tpu.memory_space<vmem>>) offsets(%dma_start3A_605 : memref<128xi32, #tpu.memory_space<vmem>>) semaphore(%arg11 : memref<!tpu.dma_semaphore, #tpu.memory_space<semaphore_mem>>)
      } else {
      }
    }
    %scan3A_66 = arith.constant 5 : i32
    %add3A_67 = arith.constant 5120 : i32
    %add3A_68 = arith.addi %mul3A_2, %add3A_67 : i32
    %dma_wait3A = arith.constant 0 : i32
    %dma_wait3A_69 = arith.constant 0 : i32
    %dma_wait3A_70 = arith.constant 0 : i32
    %dma_wait3A_71 = tpu.memref_slice %arg6[%dma_wait3A, %dma_wait3A_69, %dma_wait3A_70] : memref<10x128x64xf32, #tpu.memory_space<vmem>> -> memref<1x128x64xf32, #tpu.memory_space<vmem>>
    %dma_wait3A_72 = tpu.memref_squeeze %dma_wait3A_71 : memref<1x128x64xf32, #tpu.memory_space<vmem>> -> memref<128x64xf32, #tpu.memory_space<vmem>>
    %dma_wait3A_73 = arith.constant 0 : i32
    %dma_wait3A_74 = tpu.memref_slice %arg4[%add3A_68, %dma_wait3A_73] : memref<204800x64xf32, #tpu.memory_space<hbm>> -> memref<128x64xf32, #tpu.memory_space<hbm>>
    %dma_wait3A_75 = arith.constant 0 : i32
    %dma_wait3A_76 = tpu.memref_slice %arg4[%add3A_68, %dma_wait3A_75] : memref<204800x64xf32, #tpu.memory_space<hbm>> -> memref<128x64xf32, #tpu.memory_space<hbm>>
    %dma_wait3A_77 = arith.constant 0 : i32
    %dma_wait3A_78 = arith.constant 0 : i32
    %dma_wait3A_79 = tpu.memref_slice %arg6[%dma_wait3A, %dma_wait3A_77, %dma_wait3A_78] : memref<10x128x64xf32, #tpu.memory_space<vmem>> -> memref<1x128x64xf32, #tpu.memory_space<vmem>>
    %dma_wait3A_80 = tpu.memref_squeeze %dma_wait3A_79 : memref<1x128x64xf32, #tpu.memory_space<vmem>> -> memref<128x64xf32, #tpu.memory_space<vmem>>
    tpu.wait_dma2 semaphore(%arg17 : memref<!tpu.dma_semaphore, #tpu.memory_space<semaphore_mem>>) src(%dma_wait3A_80 : memref<128x64xf32, #tpu.memory_space<vmem>>) dst(%dma_wait3A_76 : memref<128x64xf32, #tpu.memory_space<hbm>>)
    %add3A_81 = arith.constant 5248 : i32
    %add3A_82 = arith.addi %mul3A_2, %add3A_81 : i32
    %dma_wait3A_83 = arith.constant 1 : i32
    %dma_wait3A_84 = arith.constant 0 : i32
    %dma_wait3A_85 = arith.constant 0 : i32
    %dma_wait3A_86 = tpu.memref_slice %arg6[%dma_wait3A_83, %dma_wait3A_84, %dma_wait3A_85] : memref<10x128x64xf32, #tpu.memory_space<vmem>> -> memref<1x128x64xf32, #tpu.memory_space<vmem>>
    %dma_wait3A_87 = tpu.memref_squeeze %dma_wait3A_86 : memref<1x128x64xf32, #tpu.memory_space<vmem>> -> memref<128x64xf32, #tpu.memory_space<vmem>>
    %dma_wait3A_88 = arith.constant 0 : i32
    %dma_wait3A_89 = tpu.memref_slice %arg4[%add3A_82, %dma_wait3A_88] : memref<204800x64xf32, #tpu.memory_space<hbm>> -> memref<128x64xf32, #tpu.memory_space<hbm>>
    %dma_wait3A_90 = arith.constant 0 : i32
    %dma_wait3A_91 = tpu.memref_slice %arg4[%add3A_82, %dma_wait3A_90] : memref<204800x64xf32, #tpu.memory_space<hbm>> -> memref<128x64xf32, #tpu.memory_space<hbm>>
    %dma_wait3A_92 = arith.constant 0 : i32
    %dma_wait3A_93 = arith.constant 0 : i32
    %dma_wait3A_94 = tpu.memref_slice %arg6[%dma_wait3A_83, %dma_wait3A_92, %dma_wait3A_93] : memref<10x128x64xf32, #tpu.memory_space<vmem>> -> memref<1x128x64xf32, #tpu.memory_space<vmem>>
    %dma_wait3A_95 = tpu.memref_squeeze %dma_wait3A_94 : memref<1x128x64xf32, #tpu.memory_space<vmem>> -> memref<128x64xf32, #tpu.memory_space<vmem>>
    tpu.wait_dma2 semaphore(%arg18 : memref<!tpu.dma_semaphore, #tpu.memory_space<semaphore_mem>>) src(%dma_wait3A_95 : memref<128x64xf32, #tpu.memory_space<vmem>>) dst(%dma_wait3A_91 : memref<128x64xf32, #tpu.memory_space<hbm>>)
    %add3A_96 = arith.constant 5376 : i32
    %add3A_97 = arith.addi %mul3A_2, %add3A_96 : i32
    %dma_wait3A_98 = arith.constant 2 : i32
    %dma_wait3A_99 = arith.constant 0 : i32
    %dma_wait3A_100 = arith.constant 0 : i32
    %dma_wait3A_101 = tpu.memref_slice %arg6[%dma_wait3A_98, %dma_wait3A_99, %dma_wait3A_100] : memref<10x128x64xf32, #tpu.memory_space<vmem>> -> memref<1x128x64xf32, #tpu.memory_space<vmem>>
    %dma_wait3A_102 = tpu.memref_squeeze %dma_wait3A_101 : memref<1x128x64xf32, #tpu.memory_space<vmem>> -> memref<128x64xf32, #tpu.memory_space<vmem>>
    %dma_wait3A_103 = arith.constant 0 : i32
    %dma_wait3A_104 = tpu.memref_slice %arg4[%add3A_97, %dma_wait3A_103] : memref<204800x64xf32, #tpu.memory_space<hbm>> -> memref<128x64xf32, #tpu.memory_space<hbm>>
    %dma_wait3A_105 = arith.constant 0 : i32
    %dma_wait3A_106 = tpu.memref_slice %arg4[%add3A_97, %dma_wait3A_105] : memref<204800x64xf32, #tpu.memory_space<hbm>> -> memref<128x64xf32, #tpu.memory_space<hbm>>
    %dma_wait3A_107 = arith.constant 0 : i32
    %dma_wait3A_108 = arith.constant 0 : i32
    %dma_wait3A_109 = tpu.memref_slice %arg6[%dma_wait3A_98, %dma_wait3A_107, %dma_wait3A_108] : memref<10x128x64xf32, #tpu.memory_space<vmem>> -> memref<1x128x64xf32, #tpu.memory_space<vmem>>
    %dma_wait3A_110 = tpu.memref_squeeze %dma_wait3A_109 : memref<1x128x64xf32, #tpu.memory_space<vmem>> -> memref<128x64xf32, #tpu.memory_space<vmem>>
    tpu.wait_dma2 semaphore(%arg19 : memref<!tpu.dma_semaphore, #tpu.memory_space<semaphore_mem>>) src(%dma_wait3A_110 : memref<128x64xf32, #tpu.memory_space<vmem>>) dst(%dma_wait3A_106 : memref<128x64xf32, #tpu.memory_space<hbm>>)
    %add3A_111 = arith.constant 5504 : i32
    %add3A_112 = arith.addi %mul3A_2, %add3A_111 : i32
    %dma_wait3A_113 = arith.constant 3 : i32
    %dma_wait3A_114 = arith.constant 0 : i32
    %dma_wait3A_115 = arith.constant 0 : i32
    %dma_wait3A_116 = tpu.memref_slice %arg6[%dma_wait3A_113, %dma_wait3A_114, %dma_wait3A_115] : memref<10x128x64xf32, #tpu.memory_space<vmem>> -> memref<1x128x64xf32, #tpu.memory_space<vmem>>
    %dma_wait3A_117 = tpu.memref_squeeze %dma_wait3A_116 : memref<1x128x64xf32, #tpu.memory_space<vmem>> -> memref<128x64xf32, #tpu.memory_space<vmem>>
    %dma_wait3A_118 = arith.constant 0 : i32
    %dma_wait3A_119 = tpu.memref_slice %arg4[%add3A_112, %dma_wait3A_118] : memref<204800x64xf32, #tpu.memory_space<hbm>> -> memref<128x64xf32, #tpu.memory_space<hbm>>
    %dma_wait3A_120 = arith.constant 0 : i32
    %dma_wait3A_121 = tpu.memref_slice %arg4[%add3A_112, %dma_wait3A_120] : memref<204800x64xf32, #tpu.memory_space<hbm>> -> memref<128x64xf32, #tpu.memory_space<hbm>>
    %dma_wait3A_122 = arith.constant 0 : i32
    %dma_wait3A_123 = arith.constant 0 : i32
    %dma_wait3A_124 = tpu.memref_slice %arg6[%dma_wait3A_113, %dma_wait3A_122, %dma_wait3A_123] : memref<10x128x64xf32, #tpu.memory_space<vmem>> -> memref<1x128x64xf32, #tpu.memory_space<vmem>>
    %dma_wait3A_125 = tpu.memref_squeeze %dma_wait3A_124 : memref<1x128x64xf32, #tpu.memory_space<vmem>> -> memref<128x64xf32, #tpu.memory_space<vmem>>
    tpu.wait_dma2 semaphore(%arg20 : memref<!tpu.dma_semaphore, #tpu.memory_space<semaphore_mem>>) src(%dma_wait3A_125 : memref<128x64xf32, #tpu.memory_space<vmem>>) dst(%dma_wait3A_121 : memref<128x64xf32, #tpu.memory_space<hbm>>)
    %add3A_126 = arith.constant 5632 : i32
    %add3A_127 = arith.addi %mul3A_2, %add3A_126 : i32
    %dma_wait3A_128 = arith.constant 4 : i32
    %dma_wait3A_129 = arith.constant 0 : i32
    %dma_wait3A_130 = arith.constant 0 : i32
    %dma_wait3A_131 = tpu.memref_slice %arg6[%dma_wait3A_128, %dma_wait3A_129, %dma_wait3A_130] : memref<10x128x64xf32, #tpu.memory_space<vmem>> -> memref<1x128x64xf32, #tpu.memory_space<vmem>>
    %dma_wait3A_132 = tpu.memref_squeeze %dma_wait3A_131 : memref<1x128x64xf32, #tpu.memory_space<vmem>> -> memref<128x64xf32, #tpu.memory_space<vmem>>
    %dma_wait3A_133 = arith.constant 0 : i32
    %dma_wait3A_134 = tpu.memref_slice %arg4[%add3A_127, %dma_wait3A_133] : memref<204800x64xf32, #tpu.memory_space<hbm>> -> memref<128x64xf32, #tpu.memory_space<hbm>>
    %dma_wait3A_135 = arith.constant 0 : i32
    %dma_wait3A_136 = tpu.memref_slice %arg4[%add3A_127, %dma_wait3A_135] : memref<204800x64xf32, #tpu.memory_space<hbm>> -> memref<128x64xf32, #tpu.memory_space<hbm>>
    %dma_wait3A_137 = arith.constant 0 : i32
    %dma_wait3A_138 = arith.constant 0 : i32
    %dma_wait3A_139 = tpu.memref_slice %arg6[%dma_wait3A_128, %dma_wait3A_137, %dma_wait3A_138] : memref<10x128x64xf32, #tpu.memory_space<vmem>> -> memref<1x128x64xf32, #tpu.memory_space<vmem>>
    %dma_wait3A_140 = tpu.memref_squeeze %dma_wait3A_139 : memref<1x128x64xf32, #tpu.memory_space<vmem>> -> memref<128x64xf32, #tpu.memory_space<vmem>>
    tpu.wait_dma2 semaphore(%arg21 : memref<!tpu.dma_semaphore, #tpu.memory_space<semaphore_mem>>) src(%dma_wait3A_140 : memref<128x64xf32, #tpu.memory_space<vmem>>) dst(%dma_wait3A_136 : memref<128x64xf32, #tpu.memory_space<hbm>>)
    %add3A_141 = arith.constant 5760 : i32
    %add3A_142 = arith.addi %mul3A_2, %add3A_141 : i32
    %dma_wait3A_143 = arith.constant 5 : i32
    %dma_wait3A_144 = arith.constant 0 : i32
    %dma_wait3A_145 = arith.constant 0 : i32
    %dma_wait3A_146 = tpu.memref_slice %arg6[%dma_wait3A_143, %dma_wait3A_144, %dma_wait3A_145] : memref<10x128x64xf32, #tpu.memory_space<vmem>> -> memref<1x128x64xf32, #tpu.memory_space<vmem>>
    %dma_wait3A_147 = tpu.memref_squeeze %dma_wait3A_146 : memref<1x128x64xf32, #tpu.memory_space<vmem>> -> memref<128x64xf32, #tpu.memory_space<vmem>>
    %dma_wait3A_148 = arith.constant 0 : i32
    %dma_wait3A_149 = tpu.memref_slice %arg4[%add3A_142, %dma_wait3A_148] : memref<204800x64xf32, #tpu.memory_space<hbm>> -> memref<128x64xf32, #tpu.memory_space<hbm>>
    %dma_wait3A_150 = arith.constant 0 : i32
    %dma_wait3A_151 = tpu.memref_slice %arg4[%add3A_142, %dma_wait3A_150] : memref<204800x64xf32, #tpu.memory_space<hbm>> -> memref<128x64xf32, #tpu.memory_space<hbm>>
    %dma_wait3A_152 = arith.constant 0 : i32
    %dma_wait3A_153 = arith.constant 0 : i32
    %dma_wait3A_154 = tpu.memref_slice %arg6[%dma_wait3A_143, %dma_wait3A_152, %dma_wait3A_153] : memref<10x128x64xf32, #tpu.memory_space<vmem>> -> memref<1x128x64xf32, #tpu.memory_space<vmem>>
    %dma_wait3A_155 = tpu.memref_squeeze %dma_wait3A_154 : memref<1x128x64xf32, #tpu.memory_space<vmem>> -> memref<128x64xf32, #tpu.memory_space<vmem>>
    tpu.wait_dma2 semaphore(%arg22 : memref<!tpu.dma_semaphore, #tpu.memory_space<semaphore_mem>>) src(%dma_wait3A_155 : memref<128x64xf32, #tpu.memory_space<vmem>>) dst(%dma_wait3A_151 : memref<128x64xf32, #tpu.memory_space<hbm>>)
    %add3A_156 = arith.constant 5888 : i32
    %add3A_157 = arith.addi %mul3A_2, %add3A_156 : i32
    %dma_wait3A_158 = arith.constant 6 : i32
    %dma_wait3A_159 = arith.constant 0 : i32
    %dma_wait3A_160 = arith.constant 0 : i32
    %dma_wait3A_161 = tpu.memref_slice %arg6[%dma_wait3A_158, %dma_wait3A_159, %dma_wait3A_160] : memref<10x128x64xf32, #tpu.memory_space<vmem>> -> memref<1x128x64xf32, #tpu.memory_space<vmem>>
    %dma_wait3A_162 = tpu.memref_squeeze %dma_wait3A_161 : memref<1x128x64xf32, #tpu.memory_space<vmem>> -> memref<128x64xf32, #tpu.memory_space<vmem>>
    %dma_wait3A_163 = arith.constant 0 : i32
    %dma_wait3A_164 = tpu.memref_slice %arg4[%add3A_157, %dma_wait3A_163] : memref<204800x64xf32, #tpu.memory_space<hbm>> -> memref<128x64xf32, #tpu.memory_space<hbm>>
    %dma_wait3A_165 = arith.constant 0 : i32
    %dma_wait3A_166 = tpu.memref_slice %arg4[%add3A_157, %dma_wait3A_165] : memref<204800x64xf32, #tpu.memory_space<hbm>> -> memref<128x64xf32, #tpu.memory_space<hbm>>
    %dma_wait3A_167 = arith.constant 0 : i32
    %dma_wait3A_168 = arith.constant 0 : i32
    %dma_wait3A_169 = tpu.memref_slice %arg6[%dma_wait3A_158, %dma_wait3A_167, %dma_wait3A_168] : memref<10x128x64xf32, #tpu.memory_space<vmem>> -> memref<1x128x64xf32, #tpu.memory_space<vmem>>
    %dma_wait3A_170 = tpu.memref_squeeze %dma_wait3A_169 : memref<1x128x64xf32, #tpu.memory_space<vmem>> -> memref<128x64xf32, #tpu.memory_space<vmem>>
    tpu.wait_dma2 semaphore(%arg23 : memref<!tpu.dma_semaphore, #tpu.memory_space<semaphore_mem>>) src(%dma_wait3A_170 : memref<128x64xf32, #tpu.memory_space<vmem>>) dst(%dma_wait3A_166 : memref<128x64xf32, #tpu.memory_space<hbm>>)
    %add3A_171 = arith.constant 6016 : i32
    %add3A_172 = arith.addi %mul3A_2, %add3A_171 : i32
    %dma_wait3A_173 = arith.constant 7 : i32
    %dma_wait3A_174 = arith.constant 0 : i32
    %dma_wait3A_175 = arith.constant 0 : i32
    %dma_wait3A_176 = tpu.memref_slice %arg6[%dma_wait3A_173, %dma_wait3A_174, %dma_wait3A_175] : memref<10x128x64xf32, #tpu.memory_space<vmem>> -> memref<1x128x64xf32, #tpu.memory_space<vmem>>
    %dma_wait3A_177 = tpu.memref_squeeze %dma_wait3A_176 : memref<1x128x64xf32, #tpu.memory_space<vmem>> -> memref<128x64xf32, #tpu.memory_space<vmem>>
    %dma_wait3A_178 = arith.constant 0 : i32
    %dma_wait3A_179 = tpu.memref_slice %arg4[%add3A_172, %dma_wait3A_178] : memref<204800x64xf32, #tpu.memory_space<hbm>> -> memref<128x64xf32, #tpu.memory_space<hbm>>
    %dma_wait3A_180 = arith.constant 0 : i32
    %dma_wait3A_181 = tpu.memref_slice %arg4[%add3A_172, %dma_wait3A_180] : memref<204800x64xf32, #tpu.memory_space<hbm>> -> memref<128x64xf32, #tpu.memory_space<hbm>>
    %dma_wait3A_182 = arith.constant 0 : i32
    %dma_wait3A_183 = arith.constant 0 : i32
    %dma_wait3A_184 = tpu.memref_slice %arg6[%dma_wait3A_173, %dma_wait3A_182, %dma_wait3A_183] : memref<10x128x64xf32, #tpu.memory_space<vmem>> -> memref<1x128x64xf32, #tpu.memory_space<vmem>>
    %dma_wait3A_185 = tpu.memref_squeeze %dma_wait3A_184 : memref<1x128x64xf32, #tpu.memory_space<vmem>> -> memref<128x64xf32, #tpu.memory_space<vmem>>
    tpu.wait_dma2 semaphore(%arg24 : memref<!tpu.dma_semaphore, #tpu.memory_space<semaphore_mem>>) src(%dma_wait3A_185 : memref<128x64xf32, #tpu.memory_space<vmem>>) dst(%dma_wait3A_181 : memref<128x64xf32, #tpu.memory_space<hbm>>)
    %add3A_186 = arith.constant 6144 : i32
    %add3A_187 = arith.addi %mul3A_2, %add3A_186 : i32
    %dma_wait3A_188 = arith.constant 8 : i32
    %dma_wait3A_189 = arith.constant 0 : i32
    %dma_wait3A_190 = arith.constant 0 : i32
    %dma_wait3A_191 = tpu.memref_slice %arg6[%dma_wait3A_188, %dma_wait3A_189, %dma_wait3A_190] : memref<10x128x64xf32, #tpu.memory_space<vmem>> -> memref<1x128x64xf32, #tpu.memory_space<vmem>>
    %dma_wait3A_192 = tpu.memref_squeeze %dma_wait3A_191 : memref<1x128x64xf32, #tpu.memory_space<vmem>> -> memref<128x64xf32, #tpu.memory_space<vmem>>
    %dma_wait3A_193 = arith.constant 0 : i32
    %dma_wait3A_194 = tpu.memref_slice %arg4[%add3A_187, %dma_wait3A_193] : memref<204800x64xf32, #tpu.memory_space<hbm>> -> memref<128x64xf32, #tpu.memory_space<hbm>>
    %dma_wait3A_195 = arith.constant 0 : i32
    %dma_wait3A_196 = tpu.memref_slice %arg4[%add3A_187, %dma_wait3A_195] : memref<204800x64xf32, #tpu.memory_space<hbm>> -> memref<128x64xf32, #tpu.memory_space<hbm>>
    %dma_wait3A_197 = arith.constant 0 : i32
    %dma_wait3A_198 = arith.constant 0 : i32
    %dma_wait3A_199 = tpu.memref_slice %arg6[%dma_wait3A_188, %dma_wait3A_197, %dma_wait3A_198] : memref<10x128x64xf32, #tpu.memory_space<vmem>> -> memref<1x128x64xf32, #tpu.memory_space<vmem>>
    %dma_wait3A_200 = tpu.memref_squeeze %dma_wait3A_199 : memref<1x128x64xf32, #tpu.memory_space<vmem>> -> memref<128x64xf32, #tpu.memory_space<vmem>>
    tpu.wait_dma2 semaphore(%arg25 : memref<!tpu.dma_semaphore, #tpu.memory_space<semaphore_mem>>) src(%dma_wait3A_200 : memref<128x64xf32, #tpu.memory_space<vmem>>) dst(%dma_wait3A_196 : memref<128x64xf32, #tpu.memory_space<hbm>>)
    %add3A_201 = arith.constant 6272 : i32
    %add3A_202 = arith.addi %mul3A_2, %add3A_201 : i32
    %dma_wait3A_203 = arith.constant 9 : i32
    %dma_wait3A_204 = arith.constant 0 : i32
    %dma_wait3A_205 = arith.constant 0 : i32
    %dma_wait3A_206 = tpu.memref_slice %arg6[%dma_wait3A_203, %dma_wait3A_204, %dma_wait3A_205] : memref<10x128x64xf32, #tpu.memory_space<vmem>> -> memref<1x128x64xf32, #tpu.memory_space<vmem>>
    %dma_wait3A_207 = tpu.memref_squeeze %dma_wait3A_206 : memref<1x128x64xf32, #tpu.memory_space<vmem>> -> memref<128x64xf32, #tpu.memory_space<vmem>>
    %dma_wait3A_208 = arith.constant 0 : i32
    %dma_wait3A_209 = tpu.memref_slice %arg4[%add3A_202, %dma_wait3A_208] : memref<204800x64xf32, #tpu.memory_space<hbm>> -> memref<128x64xf32, #tpu.memory_space<hbm>>
    %dma_wait3A_210 = arith.constant 0 : i32
    %dma_wait3A_211 = tpu.memref_slice %arg4[%add3A_202, %dma_wait3A_210] : memref<204800x64xf32, #tpu.memory_space<hbm>> -> memref<128x64xf32, #tpu.memory_space<hbm>>
    %dma_wait3A_212 = arith.constant 0 : i32
    %dma_wait3A_213 = arith.constant 0 : i32
    %dma_wait3A_214 = tpu.memref_slice %arg6[%dma_wait3A_203, %dma_wait3A_212, %dma_wait3A_213] : memref<10x128x64xf32, #tpu.memory_space<vmem>> -> memref<1x128x64xf32, #tpu.memory_space<vmem>>
    %dma_wait3A_215 = tpu.memref_squeeze %dma_wait3A_214 : memref<1x128x64xf32, #tpu.memory_space<vmem>> -> memref<128x64xf32, #tpu.memory_space<vmem>>
    tpu.wait_dma2 semaphore(%arg26 : memref<!tpu.dma_semaphore, #tpu.memory_space<semaphore_mem>>) src(%dma_wait3A_215 : memref<128x64xf32, #tpu.memory_space<vmem>>) dst(%dma_wait3A_211 : memref<128x64xf32, #tpu.memory_space<hbm>>)
    return
  }
}

</mosaic_0001>

<sc_bundles>
// kernel: _emb_lookup.3.cloned.1.call-start
scs
__scs_entry_jumppad:
0x0: {  	(pc) =	sbr.rel $0x88, $3  }
0x1: {  	(tag) =	ssettag $0x0;
	lr =	simm.s32 $0x1  }
0x2: {  	[smem:$0x3F9F] =	sst lr;
	_ =	strace $0xD0000000  }
0x3: {  	_ = 	snop  }
0x4: {  	_ = 	snop  }
0x5: {  	_ = 	snop  }
0x6: {  	_ = 	snop  }
0x7: {  	_ = 	snop  }
__scs_overlays_trampoline_lowered:
0x8: {  	[smem:$0x3FAE] =	sst s0  }
0x9: {  	[smem:$0x3FAF] =	sst s1  }
0xa: {  	[smem:$0x3FB0] =	sst s2  }
0xb: {  	[smem:$0x3FB1] =	sst s3  }
0xc: {  	[smem:$0x3FB2] =	sst s4  }
0xd: {  	[smem:$0x3FB3] =	sst s5  }
0xe: {  	[smem:$0x3FB4] =	sst s6  }
0xf: {  	[smem:$0x3FB5] =	sst s7  }
0x10: {  	[smem:$0x3FB6] =	sst s8  }
0x11: {  	[smem:$0x3FB7] =	sst s9;
	s0 =	simm.s32 @!p0 $0x0  }
0x12: {  	s1 =	sld [smem:$0x3F9D];
	s0 =	simm.s32 @p0 $0x1  }
0x13: {  	[smem:$0x3FB8] =	sst s0;
	s0 =	simm.s32 @!p1 $0x0  }
0x14: {  	s2 =	sld [smem:$0x3F9C];
	s0 =	simm.s32 @p1 $0x1  }
0x15: {  	[smem:$0x3FB9] =	sst s0;
	s0 =	simm.s32 @!p2 $0x0  }
0x16: {  	s3 =	sld [smem:$0x3FDB];
	s0 =	simm.s32 @p2 $0x1  }
0x17: {  	s4 =	simm.s32 $0x1BF5;
	[smem:$0x3FBB] =	sst s0  }
0x18: {  	s0 =	sld [smem:$0x3F9E];
	_ =	swait.ge [sflag:s4], $0x0  }
0x19: {  	s7 =	sld [smem:$0x3F9F]  }
0x1a: {  	s8 =	sadd.s32 $0xFFFFE003, lr  }
0x1b: {  	s9 =	sadd.s32 $0xFFFFFEF7, lr;
	s5 =	simm.s32 $0xFFFFFFFF;
	p2 =	slt.u32 s8, $0xFFFFF086  }
0x1c: {  	p1 =	slt.u32 s9, $0xF7A;
	s5 =	simm.s32 @!p2 $0x0  }
0x1d: {  	s5 =	simm.s32 @p1 $0x1;
	p0 =	seq.s32 s7, s2  }
0x1e: {  	s7 =	smul.u32 @!p0 $0xF7A, s2;
	p2 =	seq.s32 @!p0 s5, $0x0  }
0x1f: {  	s9 =	smul.u32 $0xF7A, s1;
	s8 =	simm.s32 @!p0 $0x1BF5;
	p2 =	por !p2, p0  }
0x20: {  	[sflag:s8] =	ssyncset.s32 @!p0 $0xFFFFF086;
	s6 =	sadd.s32 @!p0 s3, s7;
	s7 =	simm.s32 @!p0 $0x108  }
0x21: {  	s3 =	sadd.s32 s3, s9;
	s6 =	sadd.s32 @!p0 $0x88, s6;
	s7 =	simm.s32 @p2 $0x1082  }
0x22: {  	[simem:s7], [sflag:s8] =	dma.local @!p0 [hbm:s6], $0xF7A  }
0x23: {  	s9 =	sor.u32 $0xD0000000, s2;
	s6 =	simm.s32 $0x108;
	_ =	swait.ge @!p0 [sflag:s8], $0x0  }
0x24: {  	s3 =	sadd.s32 $0x88, s3;
	s6 =	simm.s32 @!p1 $0x1082;
	[sflag:s4] =	ssyncset.s32 $0xFFFFF086  }
0x25: {  	[simem:s6], [sflag:s4] =	dma.local [hbm:s3], $0xF7A  }
0x26: {  	[smem:$0x3F9F] =	sst s1;
	(tag) =	ssettag s2;
	_ =	strace s9  }
0x27: {  	s1 =	sld [smem:$0x3FAF]  }
0x28: {  	s2 =	sld [smem:$0x3FB0]  }
0x29: {  	s4 =	sld [smem:$0x3FB2]  }
0x2a: {  	p0 =	seq.s32 s5, $0x0;
	s5 =	sld [smem:$0x3FB3]  }
0x2b: {  	s6 =	sld [smem:$0x3FB4]  }
0x2c: {  	s7 =	sld [smem:$0x3FB5]  }
0x2d: {  	s3 =	simm.s32 $0x108;
	s8 =	sld [smem:$0x3FB6]  }
0x2e: {  	s3 =	simm.s32 @!p0 $0x1082;
	s9 =	sld [smem:$0x3FB7]  }
0x2f: {  	lr =	sadd.s32 s0, s3;
	s0 =	sld [smem:$0x3FAE]  }
0x30: {  	s3 =	sld [smem:$0x3FB1]  }
0x31: {  	[smem:$0x3FBA] =	sst s10  }
0x32: {  	s10 =	sld [smem:$0x3FB8];
	_ =	sdelay $0x3  }
0x33: {  	p0 =	seq.s32 s10, $0x1;
	s10 =	sld [smem:$0x3FBA];
	_ =	sdelay $0x3  }
0x34: {  	[smem:$0x3FBA] =	sst s10  }
0x35: {  	s10 =	sld [smem:$0x3FB9];
	_ =	sdelay $0x3  }
0x36: {  	p1 =	seq.s32 s10, $0x1;
	s10 =	sld [smem:$0x3FBA];
	_ =	sdelay $0x3  }
0x37: {  	[smem:$0x3FBA] =	sst s10  }
0x38: {  	s10 =	sld [smem:$0x3FBB]  }
0x39: {  	_ = 	snop;
	(pc) =	sbr.ind lr, $3  }
0x3a: {  	_ = 	snop  }
0x3b: {  	_ = 	snop  }
0x3c: {  	p2 =	seq.s32 s10, $0x1;
	s10 =	sld [smem:$0x3FBA]  }
0x3d: {  	_ =	shalt  }
0x3e: {  	_ =	shalt  }
0x3f: {  	_ =	shalt  }
0x40: {  	_ =	shalt  }
0x41: {  	_ =	shalt  }
0x42: {  	_ =	shalt  }
0x43: {  	_ =	shalt  }
0x44: {  	_ =	shalt  }
0x45: {  	_ =	shalt  }
0x46: {  	_ =	shalt  }
0x47: {  	_ =	shalt  }
0x48: {  	_ =	shalt  }
0x49: {  	_ =	shalt  }
0x4a: {  	_ =	shalt  }
0x4b: {  	_ =	shalt  }
0x4c: {  	_ =	shalt  }
0x4d: {  	_ =	shalt  }
0x4e: {  	_ =	shalt  }
0x4f: {  	_ =	shalt  }
0x50: {  	_ =	shalt  }
0x51: {  	_ =	shalt  }
0x52: {  	_ =	shalt  }
0x53: {  	_ =	shalt  }
0x54: {  	_ =	shalt  }
0x55: {  	_ =	shalt  }
0x56: {  	_ =	shalt  }
0x57: {  	_ =	shalt  }
0x58: {  	_ =	shalt  }
0x59: {  	_ =	shalt  }
0x5a: {  	_ =	shalt  }
0x5b: {  	_ =	shalt  }
0x5c: {  	_ =	shalt  }
0x5d: {  	_ =	shalt  }
0x5e: {  	_ =	shalt  }
0x5f: {  	_ =	shalt  }
0x60: {  	_ =	shalt  }
0x61: {  	_ =	shalt  }
0x62: {  	_ =	shalt  }
0x63: {  	_ =	shalt  }
0x64: {  	_ =	shalt  }
0x65: {  	_ =	shalt  }
0x66: {  	_ =	shalt  }
0x67: {  	_ =	shalt  }
0x68: {  	_ =	shalt  }
0x69: {  	_ =	shalt  }
0x6a: {  	_ =	shalt  }
0x6b: {  	_ =	shalt  }
0x6c: {  	_ =	shalt  }
0x6d: {  	_ =	shalt  }
0x6e: {  	_ =	shalt  }
0x6f: {  	_ =	shalt  }
0x70: {  	_ =	shalt  }
0x71: {  	_ =	shalt  }
0x72: {  	_ =	shalt  }
0x73: {  	_ =	shalt  }
0x74: {  	_ =	shalt  }
0x75: {  	_ =	shalt  }
0x76: {  	_ =	shalt  }
0x77: {  	_ =	shalt  }
0x78: {  	_ =	shalt  }
0x79: {  	_ =	shalt  }
0x7a: {  	_ =	shalt  }
0x7b: {  	_ =	shalt  }
0x7c: {  	_ =	shalt  }
0x7d: {  	_ =	shalt  }
0x7e: {  	_ =	shalt  }
0x7f: {  	_ =	shalt  }
0x80: {  	_ =	shalt  }
0x81: {  	_ =	shalt  }
0x82: {  	_ =	shalt  }
0x83: {  	_ =	shalt  }
0x84: {  	_ =	shalt  }
0x85: {  	_ =	shalt  }
0x86: {  	_ =	shalt  }
0x87: {  	_ =	shalt  }
.Lfunc_end0:
.L_simem_size_0:
called_computation.1_lowered:
.L_overlay_start_0:
0x88: {  	s2 =	sld [smem:$0x3FD9]  }
0x89: {  	s3 =	sld [smem:$0x3FFE];
	_ =	sdelay $0x1  }
0x8a: {  	s1 =	srdreg.scid  }
0x8b: {  	s0 =	sand.u32 $0x1, s1  }
0x8c: {  	s17 =	sshll.u32 s0, $0xA;
	s2 =	sadd.s32 s3, s2  }
0x8d: {  	s2 =	sadd.s32 s2, s17  }
0x8e: {  	[smem:$0x3FC6] =	sst s2  }
0x8f: {  	_ = 	snop  }
0x90: {  	s2 =	sld [smem:$0x3FD0];
	(tm) =	ssettm $0x1  }
0x91: {  	s18 =	sld [smem:$0x3FFB];
	_ =	sdelay $0x3  }
0x92: {  	_ =	strace s18  }
0x93: {  	s3 =	sld [smem:$0x3FFC];
	_ =	sdelay $0x3  }
0x94: {  	_ =	strace s3  }
0x95: {  	s3 =	sld [smem:$0x3FFD];
	_ =	sdelay $0x3  }
0x96: {  	_ =	strace s3  }
0x97: {  	_ =	strace $0x8FFFFFFF  }
0x98: {  	s19 =	sld [smem:$0x3FDB];
	_ =	sdelay $0x1  }
0x99: {  	s4 =	simm.s32 $_scs_section_size  }
0x9a: {  	s5 =	simm.s32 $_size__tile_overlayer_lowered;
	s6 =	simm.s32 $_tile_overlayer_lowered  }
0x9b: {  	s22 =	simm.s32 $0x1BFF;
	s21 =	sshll.u32 s6, $0x1;
	s3 =	sadd.s32 s4, s19  }
0x9c: {  	s7 =	simm.s32 $0x0;
	s20 =	sshll.u32 s5, $0x1;
	s5 =	sadd.s32 s21, s3  }
0x9d: {  	[timem:s7], [sflag:s22] =	dma.local [hbm:s5], s20  }
0x9e: {  	_ =	swait.ge [sflag:s22], s20  }
0x9f: {  	s4 =	ssub.s32 $0x0, s20;
	[sflag:s22] =	ssyncset.done $0x0  }
0xa0: {  	[sflag:s22] =	ssyncadd.s32 s4;
	_ =	sdelay $0x1  }
0xa1: {  	s23 =	simm.s32 $0x1B8B  }
0xa2: {  	_ =	swait.ge [sflag:s23], $0x1  }
0xa3: {  	[sflag:s23] =	ssyncset.done $0x0  }
0xa4: {  	s25 =	simm.s32 $0x1B8E;
	s24 =	sld [smem:$0x3FFE];
	[sflag:s23] =	ssyncadd.s32 $0xFFFFFFFF  }
0xa5: {  	s26 =	simm.s32 $execute0_lowered;
	[smem:$0x3FD2] =	sst s25  }
0xa6: {  	s5 =	sshll.u32 s26, $0x1;
	_ =	strace $0x80000046;
	[dreg:$0x1] =	wrdreg $0xFFFFFFFF  }
0xa7: {  	s28 =	simm.s32 $_size_execute0_lowered;
	s3 =	sadd.s32 s3, s5;
	[dreg:$0x0] =	wrdreg $0x0  }
0xa8: {  	s5 =	sshll.u32 s28, $0x1;
	[dreg:$0x2] =	wrdreg s3  }
0xa9: {  	[dreg:$0x3] =	wrdreg s5  }
0xaa: {  	[dreg:$0x4] =	wrdreg $0xC0  }
0xab: {  	_ =	task [dreg:s7], $0x5FFFF  }
0xac: {  	[dreg:$0x1] =	wrdreg $0xFFFFFFFF  }
0xad: {  	[dreg:$0x0] =	wrdreg $0x60  }
0xae: {  	[dreg:$0x2] =	wrdreg s24  }
0xaf: {  	[dreg:$0x3] =	wrdreg s2  }
0xb0: {  	[dreg:$0x4] =	wrdreg $0x9  }
0xb1: {  	_ =	task.clear_ibuf [dreg:s7], $0x5FFFF;
	_ =	strace $0x90000046  }
0xb2: {  	s29 =	simm.s32 $0x9;
	_ =	strace $0x80000048  }
0xb3: {  	_ =	swait.ge [sflag:s29], $0x1  }
0xb4: {  	[sflag:s29] =	ssyncadd.s32 $0xFFFFFFFF  }
0xb5: {  	_ =	strace $0x90000048  }
0xb6: {  	_ =	sfence  }
0xb7: {  	s30 =	sld [smem:$0x0];
	_ =	sdelay $0x2  }
0xb8: {  	s31 =	sshll.u32 s1, $0xD;
	s1 =	sshrl.u32 s1, $0x2  }
0xb9: {  	s3 =	sand.u32 $0x4000, s31;
	s1 =	sadd.s32 s1, s30  }
0xba: {  	s0 =	sor.u32 s3, s0;
	s1 =	sshll.u32 s1, $0x11  }
0xbb: {  	s0 =	sor.u32 s1, s0  }
0xbc: {  	s0 =	sadd.s32 $0x8F2B, s0  }
0xbd: {  	[sflag:s0] =	ssyncadd.remote.s32 $0x1  }
0xbe: {  	_ =	sfence.sel $0xFFFF  }
0xbf: {  	[dreg:$0x0] =	wrdreg $0xFFFFFFFF;
	(pc) =	sbr.abs _section_cstart, $3  }
0xc0: {  	[dreg:$0x1] =	wrdreg $0xFFFFFFFF  }
0xc1: {  	_ =	task.clear_ibuf [dreg:s7], $0x2FFFF;
	_ =	strace $0x9FFFFFFF  }
0xc2: {  	(tm) =	ssettm $0x7FFFFFFF  }
0xc3: {  	_ =	shalt  }
tec
execute0_lowered:
.L_overlay_start_1:
0x0: {  	(tag) =	ssettag $0x1  }
0x1: {  	s0 =	rddreg [dreg:$0x0];
	s9 =	stileid.u32  }
0x2: {  	s1 =	srdreg.scid;
	s6 =	smul.u32 $0x3200, s9  }
0x3: {  	s3 =	simm.s32 $0x0;
	s28 =	simm.s32 $0x1;
	s17 =	smul.u32 $0xC8000, s9  }
0x4: {  	s29 =	simm.s32 $0xB900;
	s1 =	sand.u32 $0x1, s1;
	s22 =	smul.u32 $0x19000, s9  }
0x5: {  	s30 =	simm.s32 $0x2;
	s31 =	simm.s32 $0xD900;
	s8 =	smul.u32 $0x1900, s1  }
0x6: {  	s2 =	sshll.u32 s9, $0x1;
	[smem:$0x7FF] =	sst s3;
	s19 =	smul.u32 $0x64000, s1  }
0x7: {  	s2 =	sor.u32 s1, s2;
	s5 =	ssub.s32 $0x2, s1;
	s1 =	smul.u32 $0xC800, s1  }
0x8: {  	s4 =	sadd.s32 $0xF42E00, s0;
	s2 =	smul.u32 $0x1900, s2;
	s7 =	sshrl.u32 s5, $0x1  }
0x9: {  	_ =	strace $0x80000047;
	s15 =	ssub.s32 s5, s7;
	s16 =	sadd.s32 s8, s6  }
0xa: {  	s1 =	sadd.s32 s1, s22;
	s2 =	sshrl.u32 s2, $0x3;
	s18 =	sshll.u32 s16, $0x3  }
0xb: {  	[dreg:$0x9] =	wrdreg s1;
	s2 =	sadd.s32 s2, s0;
	s0 =	smax.u32 s15, $0x1  }
0xc: {  	s9 =	simm.s32 $0x0;
	s20 =	sadd.s32 $0x1000, s18;
	[dreg:$0x4] =	wrdreg s0  }
0xd: {  	s6 =	simm.s32 $0x7;
	s21 =	sadd.s32 $0xC00, s18;
	[dreg:$0x5] =	wrdreg s20  }
0xe: {  	s22 =	simm.s32 $0xF;
	s23 =	sadd.s32 $0x800, s18;
	[dreg:$0x6] =	wrdreg s21  }
0xf: {  	s1 =	simm.s32 $0x3;
	s2 =	sadd.s32 $0xA00, s2;
	[dreg:$0x7] =	wrdreg s23  }
0x10: {  	s0 =	sor.u32 $0x400, s18;
	s18 =	simm.s32 $0x80;
	s21 =	simm.s32 $0x11900  }
0x11: {  	s23 =	simm.s32 $0x5;
	s20 =	simm.s32 $0xA;
	[dreg:$0x3] =	wrdreg s2  }
0x12: {  	s2 =	sadd.s32 s19, s17;
	[dreg:$0x8] =	wrdreg s0;
	s17 =	simm.s32 $0x8  }
0x13: {  	s19 =	simm.s32 $0x9;
	s24 =	sadd.s32 $0x12000, s2;
	s5 =	sadd.s32 $0x10000, s2  }
.Ltmp0:
0x14: {  	s25 =	sadd.s32 $0xE000, s2;
	s26 =	sadd.s32 $0xC000, s2;
	(pc) =	sbr.rel .LBB2_1-.Ltmp0, $4  }
0x15: {  	s2 =	sadd.s32 $0xA000, s2;
	s0 =	sshrl.u32 s24, $0x3;
	s13 =	sshrl.u32 s5, $0x3  }
0x16: {  	s14 =	sshrl.u32 s25, $0x3;
	s15 =	sshrl.u32 s26, $0x3;
	s16 =	sshrl.u32 s2, $0x3  }
0x17: {  	s26 =	simm.s32 $0x9900;
	s2 =	simm.s32 $0x4;
	s25 =	simm.s32 $0x13900  }
0x18: {  	s5 =	simm.s32 $0x6;
	[dreg:$0xa] =	wrdreg s0;
	s0 =	simm.s32 $0xF900  }
.LBB2_4:
0x19: {  	s7 =	simm.s32 $0xB  }
0x1a: {  	_ =	swait.ge [sflag:s7], $0x2000  }
0x1b: {  	[sflag:s7] =	ssyncset.done $0x0  }
0x1c: {  	s12 =	simm.s32 $0xC;
	[sflag:s7] =	ssyncadd.s32 $0xFFFFE000  }
0x1d: {  	_ =	swait.ge [sflag:s12], $0x2000  }
0x1e: {  	[sflag:s12] =	ssyncset.done $0x0  }
0x1f: {  	s24 =	simm.s32 $0xD;
	[sflag:s12] =	ssyncadd.s32 $0xFFFFE000  }
0x20: {  	_ =	swait.ge [sflag:s24], $0x2000  }
0x21: {  	[sflag:s24] =	ssyncset.done $0x0  }
0x22: {  	s8 =	simm.s32 $0xE;
	[sflag:s24] =	ssyncadd.s32 $0xFFFFE000  }
0x23: {  	_ =	swait.ge [sflag:s8], $0x2000  }
0x24: {  	[sflag:s8] =	ssyncset.done $0x0  }
0x25: {  	[sflag:s8] =	ssyncadd.s32 $0xFFFFE000  }
0x26: {  	_ =	swait.ge [sflag:s22], $0x2000  }
0x27: {  	[sflag:s22] =	ssyncset.done $0x0  }
0x28: {  	s9 =	simm.s32 $0x10;
	[sflag:s22] =	ssyncadd.s32 $0xFFFFE000  }
0x29: {  	_ =	swait.ge [sflag:s9], $0x2000  }
0x2a: {  	[sflag:s9] =	ssyncset.done $0x0  }
0x2b: {  	s10 =	simm.s32 $0x11;
	[sflag:s9] =	ssyncadd.s32 $0xFFFFE000  }
0x2c: {  	_ =	swait.ge [sflag:s10], $0x2000  }
0x2d: {  	[sflag:s10] =	ssyncset.done $0x0  }
0x2e: {  	s11 =	simm.s32 $0x12;
	[sflag:s10] =	ssyncadd.s32 $0xFFFFE000  }
0x2f: {  	_ =	swait.ge [sflag:s11], $0x2000  }
0x30: {  	[sflag:s11] =	ssyncset.done $0x0  }
0x31: {  	s12 =	simm.s32 $0x13;
	[sflag:s11] =	ssyncadd.s32 $0xFFFFE000  }
0x32: {  	_ =	swait.ge [sflag:s12], $0x2000  }
0x33: {  	[sflag:s12] =	ssyncset.done $0x0  }
0x34: {  	s8 =	simm.s32 $0x14;
	[sflag:s12] =	ssyncadd.s32 $0xFFFFE000  }
0x35: {  	_ =	swait.ge [sflag:s8], $0x2000  }
0x36: {  	s9 =	rddreg [dreg:$0xb]  }
0x37: {  	s24 =	rddreg [dreg:$0x4];
	s9 =	sadd.s32 $0x1, s9  }
0x38: {  	p0 =	sne.s32 s9, s24  }
.Ltmp1:
0x39: {  	_ = 	snop;
	(pc) =	sbr.rel @!p0 .LBB2_5-.Ltmp1, $3  }
0x3a: {  	_ =	sdelay $0x1  }
0x3b: {  	[sflag:s8] =	ssyncset.done $0x0  }
0x3c: {  	[sflag:s8] =	ssyncadd.s32 $0xFFFFE000  }
.LBB2_1:
0x3d: {  	[dreg:$0xb] =	wrdreg s9  }
0x3e: {  	s7 =	rddreg [dreg:$0x3];
	s24 =	simm.s32 $0x15  }
0x3f: {  	[tilespmem:s3], [sflag:$0x15] =	stream.linear.gather [hbm4b:s7+s3], $0x1900, $0x38;
	[tilespmem:$0x15900] =	vst v63  }
0x40: {  	_ =	swait.ge [sflag:s24], $0x1900  }
0x41: {  	[sflag:s24] =	ssyncset.done $0x0  }
0x42: {  	s8 =	simm.s32 $0x1900;
	[sflag:s24] =	ssyncadd.s32 $0xFFFFE700  }
0x43: {  	[tilespmem:s8], [sflag:$0x1] =	stream.indirect.gather [hbm4b:s4+s18], $0x40, s3, s18, $0xb8;
	[tilespmem:$0x15900] =	vst v63  }
0x44: {  	s9 =	simm.s32 $0x3900  }
0x45: {  	[tilespmem:s9], [sflag:$0x2] =	stream.indirect.gather [hbm4b:s4+s18], $0x40, s18, s18, $0xb8;
	[tilespmem:$0x15900] =	vst v63  }
0x46: {  	s10 =	simm.s32 $0x100;
	s8 =	simm.s32 $0x5900  }
0x47: {  	[tilespmem:s8], [sflag:$0x3] =	stream.indirect.gather [hbm4b:s4+s18], $0x40, s10, s18, $0xb8;
	[tilespmem:$0x15900] =	vst v63  }
0x48: {  	s11 =	simm.s32 $0x180;
	s12 =	simm.s32 $0x7900  }
0x49: {  	[tilespmem:s12], [sflag:$0x4] =	stream.indirect.gather [hbm4b:s4+s18], $0x40, s11, s18, $0xb8;
	[tilespmem:$0x15900] =	vst v63  }
0x4a: {  	s24 =	simm.s32 $0x200  }
0x4b: {  	[tilespmem:s26], [sflag:$0x5] =	stream.indirect.gather [hbm4b:s4+s18], $0x40, s24, s18, $0xb8;
	[tilespmem:$0x15900] =	vst v63  }
0x4c: {  	s7 =	simm.s32 $0x0;
	s24 =	rddreg [dreg:$0x1]  }
.LBB2_2:
0x4d: {  	_ =	swait.ge [sflag:s28], $0x2000  }
0x4e: {  	s9 =	simm.s32 $0x1900;
	[sflag:s28] =	ssyncset.done $0x0;
	s8 =	rddreg [dreg:$0x9]  }
0x4f: {  	p0 =	seq.s32 s7, $0x0;
	[sflag:s28] =	ssyncadd.s32 $0xFFFFE000;
	s8 =	sadd.s32 s24, s8  }
0x50: {  	[hbm4b:s8+s3] =	stream.linear.scatter [tilespmem:s9], [sflag:$0xB], $0x2000, $0x38;
	[tilespmem:$0x15900] =	vst v63  }
0x51: {  	s9 =	simm.s32 @!p0 $0x10  }
0x52: {  	_ =	swait.ge @!p0 [sflag:s9], $0x2000  }
0x53: {  	s8 =	sshra.s32 s7, $0x2;
	[sflag:s9] =	ssyncset.done @!p0 $0x0  }
0x54: {  	s11 =	sadd.s32 $0x280, s8;
	[sflag:s9] =	ssyncadd.s32 @!p0 $0xFFFFE000  }
0x55: {  	[tilespmem:s29], [sflag:$0x6] =	stream.indirect.gather [hbm4b:s4+s18], $0x40, s11, s18, $0xb8;
	[tilespmem:$0x15900] =	vst v63  }
0x56: {  	_ =	swait.ge [sflag:s30], $0x2000  }
0x57: {  	[sflag:s30] =	ssyncset.done $0x0;
	s12 =	rddreg [dreg:$0x8]  }
0x58: {  	s10 =	simm.s32 $0x3900;
	[sflag:s30] =	ssyncadd.s32 $0xFFFFE000;
	s9 =	sadd.s32 s24, s12  }
0x59: {  	[hbm4b:s9+s3] =	stream.linear.scatter [tilespmem:s10], [sflag:$0xC], $0x2000, $0x38;
	[tilespmem:$0x15900] =	vst v63  }
0x5a: {  	s9 =	simm.s32 @!p0 $0x11  }
0x5b: {  	_ =	swait.ge @!p0 [sflag:s9], $0x2000  }
0x5c: {  	[sflag:s9] =	ssyncset.done @!p0 $0x0  }
0x5d: {  	s10 =	sadd.s32 $0x300, s8;
	[sflag:s9] =	ssyncadd.s32 @!p0 $0xFFFFE000  }
0x5e: {  	[tilespmem:s31], [sflag:$0x7] =	stream.indirect.gather [hbm4b:s4+s18], $0x40, s10, s18, $0xb8;
	[tilespmem:$0x15900] =	vst v63  }
0x5f: {  	_ =	swait.ge [sflag:s1], $0x2000  }
0x60: {  	[sflag:s1] =	ssyncset.done $0x0;
	s11 =	rddreg [dreg:$0x7]  }
0x61: {  	s12 =	simm.s32 $0x5900;
	[sflag:s1] =	ssyncadd.s32 $0xFFFFE000;
	s9 =	sadd.s32 s24, s11  }
0x62: {  	[hbm4b:s9+s3] =	stream.linear.scatter [tilespmem:s12], [sflag:$0xD], $0x2000, $0x38;
	[tilespmem:$0x15900] =	vst v63  }
0x63: {  	s9 =	simm.s32 @!p0 $0x12  }
0x64: {  	_ =	swait.ge @!p0 [sflag:s9], $0x2000  }
0x65: {  	[sflag:s9] =	ssyncset.done @!p0 $0x0  }
0x66: {  	s10 =	sadd.s32 $0x380, s8;
	[sflag:s9] =	ssyncadd.s32 @!p0 $0xFFFFE000  }
0x67: {  	[tilespmem:s0], [sflag:$0x8] =	stream.indirect.gather [hbm4b:s4+s18], $0x40, s10, s18, $0xb8;
	[tilespmem:$0x15900] =	vst v63  }
0x68: {  	_ =	swait.ge [sflag:s2], $0x2000  }
0x69: {  	[sflag:s2] =	ssyncset.done $0x0;
	s11 =	rddreg [dreg:$0x6]  }
0x6a: {  	s12 =	simm.s32 $0x7900;
	[sflag:s2] =	ssyncadd.s32 $0xFFFFE000;
	s9 =	sadd.s32 s24, s11  }
0x6b: {  	[hbm4b:s9+s3] =	stream.linear.scatter [tilespmem:s12], [sflag:$0xE], $0x2000, $0x38;
	[tilespmem:$0x15900] =	vst v63  }
0x6c: {  	s9 =	simm.s32 @!p0 $0x13  }
0x6d: {  	_ =	swait.ge @!p0 [sflag:s9], $0x2000  }
0x6e: {  	[sflag:s9] =	ssyncset.done @!p0 $0x0  }
0x6f: {  	s11 =	sadd.s32 $0x400, s8;
	[sflag:s9] =	ssyncadd.s32 @!p0 $0xFFFFE000  }
0x70: {  	[tilespmem:s21], [sflag:$0x9] =	stream.indirect.gather [hbm4b:s4+s18], $0x40, s11, s18, $0xb8;
	[tilespmem:$0x15900] =	vst v63  }
0x71: {  	_ =	swait.ge [sflag:s23], $0x2000  }
0x72: {  	[sflag:s23] =	ssyncset.done $0x0;
	s12 =	rddreg [dreg:$0x5]  }
0x73: {  	[sflag:s23] =	ssyncadd.s32 $0xFFFFE000;
	s9 =	sadd.s32 s24, s12  }
0x74: {  	[hbm4b:s9+s3] =	stream.linear.scatter [tilespmem:s26], [sflag:$0xF], $0x2000, $0x38;
	[tilespmem:$0x15900] =	vst v63  }
0x75: {  	s9 =	simm.s32 @!p0 $0x14  }
0x76: {  	_ =	swait.ge @!p0 [sflag:s9], $0x2000  }
0x77: {  	[sflag:s9] =	ssyncset.done @!p0 $0x0  }
0x78: {  	s10 =	sadd.s32 $0x480, s8;
	[sflag:s9] =	ssyncadd.s32 @!p0 $0xFFFFE000  }
0x79: {  	[tilespmem:s25], [sflag:$0xA] =	stream.indirect.gather [hbm4b:s4+s18], $0x40, s10, s18, $0xb8;
	[tilespmem:$0x15900] =	vst v63  }
0x7a: {  	_ =	swait.ge [sflag:s5], $0x2000  }
0x7b: {  	p0 =	seq.s32 s7, $0x5000;
	[sflag:s5] =	ssyncset.done $0x0  }
0x7c: {  	s11 =	sadd.s32 s24, s16;
	s9 =	simm.s32 @!p0 $0xB;
	[sflag:s5] =	ssyncadd.s32 $0xFFFFE000  }
0x7d: {  	[hbm4b:s11+s3] =	stream.linear.scatter [tilespmem:s29], [sflag:$0x10], $0x2000, $0x38;
	[tilespmem:$0x15900] =	vst v63  }
0x7e: {  	_ =	swait.ge @!p0 [sflag:s9], $0x2000  }
0x7f: {  	[sflag:s9] =	ssyncset.done @!p0 $0x0  }
0x80: {  	[sflag:s9] =	ssyncadd.s32 @!p0 $0xFFFFE000;
	s9 =	sshra.s32 @!p0 s7, $0x2  }
0x81: {  	s12 =	simm.s32 @!p0 $0x1900;
	s11 =	simm.s32 @!p0 $0x80;
	s10 =	sadd.s32 @!p0 $0x500, s9  }
0x82: {  	[tilespmem:s12], [sflag:$0x1] =	stream.indirect.gather @!p0 [hbm4b:s4+s11], $0x40, s10, s11, $0xb8;
	[tilespmem:$0x15900] =	vst v63  }
0x83: {  	_ =	swait.ge [sflag:s6], $0x2000  }
0x84: {  	[sflag:s6] =	ssyncset.done $0x0  }
0x85: {  	s12 =	sadd.s32 s24, s15;
	s10 =	simm.s32 @!p0 $0xC;
	[sflag:s6] =	ssyncadd.s32 $0xFFFFE000  }
0x86: {  	[hbm4b:s12+s3] =	stream.linear.scatter [tilespmem:s31], [sflag:$0x11], $0x2000, $0x38;
	[tilespmem:$0x15900] =	vst v63  }
0x87: {  	_ =	swait.ge @!p0 [sflag:s10], $0x2000  }
0x88: {  	[sflag:s10] =	ssyncset.done @!p0 $0x0  }
0x89: {  	s12 =	simm.s32 @!p0 $0x3900;
	[sflag:s10] =	ssyncadd.s32 @!p0 $0xFFFFE000;
	s10 =	sadd.s32 @!p0 $0x580, s9  }
0x8a: {  	[tilespmem:s12], [sflag:$0x2] =	stream.indirect.gather @!p0 [hbm4b:s4+s11], $0x40, s10, s11, $0xb8;
	[tilespmem:$0x15900] =	vst v63  }
0x8b: {  	_ =	swait.ge [sflag:s17], $0x2000  }
0x8c: {  	[sflag:s17] =	ssyncset.done $0x0  }
0x8d: {  	s12 =	sadd.s32 s24, s14;
	s10 =	simm.s32 @!p0 $0xD;
	[sflag:s17] =	ssyncadd.s32 $0xFFFFE000  }
0x8e: {  	[hbm4b:s12+s3] =	stream.linear.scatter [tilespmem:s0], [sflag:$0x12], $0x2000, $0x38;
	[tilespmem:$0x15900] =	vst v63  }
0x8f: {  	_ =	swait.ge @!p0 [sflag:s10], $0x2000  }
0x90: {  	[sflag:s10] =	ssyncset.done @!p0 $0x0  }
0x91: {  	s12 =	simm.s32 @!p0 $0x5900;
	[sflag:s10] =	ssyncadd.s32 @!p0 $0xFFFFE000;
	s10 =	sadd.s32 @!p0 $0x600, s9  }
0x92: {  	[tilespmem:s12], [sflag:$0x3] =	stream.indirect.gather @!p0 [hbm4b:s4+s11], $0x40, s10, s11, $0xb8;
	[tilespmem:$0x15900] =	vst v63  }
0x93: {  	_ =	swait.ge [sflag:s19], $0x2000  }
0x94: {  	[sflag:s19] =	ssyncset.done $0x0  }
0x95: {  	s12 =	sadd.s32 s24, s13;
	s10 =	simm.s32 @!p0 $0xE;
	[sflag:s19] =	ssyncadd.s32 $0xFFFFE000  }
0x96: {  	[hbm4b:s12+s3] =	stream.linear.scatter [tilespmem:s21], [sflag:$0x13], $0x2000, $0x38;
	[tilespmem:$0x15900] =	vst v63  }
0x97: {  	_ =	swait.ge @!p0 [sflag:s10], $0x2000  }
0x98: {  	[sflag:s10] =	ssyncset.done @!p0 $0x0  }
0x99: {  	s9 =	sadd.s32 @!p0 $0x680, s9;
	[sflag:s10] =	ssyncadd.s32 @!p0 $0xFFFFE000;
	s10 =	simm.s32 @!p0 $0x7900  }
0x9a: {  	[tilespmem:s10], [sflag:$0x4] =	stream.indirect.gather @!p0 [hbm4b:s4+s11], $0x40, s9, s11, $0xb8;
	[tilespmem:$0x15900] =	vst v63  }
.Ltmp2:
0x9b: {  	_ = 	snop;
	(pc) =	sbr.rel @p0 .LBB2_4-.Ltmp2, $4  }
0x9c: {  	_ =	swait.ge [sflag:s20], $0x2000  }
0x9d: {  	[sflag:s20] =	ssyncset.done $0x0;
	s12 =	rddreg [dreg:$0xa]  }
0x9e: {  	[sflag:s20] =	ssyncadd.s32 $0xFFFFE000;
	s9 =	sadd.s32 s24, s12  }
0x9f: {  	[hbm4b:s9+s3] =	stream.linear.scatter [tilespmem:s25], [sflag:$0x14], $0x2000, $0x38;
	[tilespmem:$0x15900] =	vst v63  }
.Ltmp3:
0xa0: {  	(pc) =	sbr.rel .LBB2_2-.Ltmp3, $4  }
0xa1: {  	_ =	swait.ge [sflag:s22], $0x2000  }
0xa2: {  	s8 =	sadd.s32 $0x700, s8;
	[sflag:s22] =	ssyncset.done $0x0  }
0xa3: {  	s7 =	sadd.s32 $0x1400, s7;
	s24 =	sadd.s32 $0x2800, s24;
	[sflag:s22] =	ssyncadd.s32 $0xFFFFE000  }
0xa4: {  	[tilespmem:s26], [sflag:$0x5] =	stream.indirect.gather [hbm4b:s4+s18], $0x40, s8, s18, $0xb8;
	[tilespmem:$0x15900] =	vst v63  }
.LBB2_5:
0xa5: {  	_ =	sfence.sel $0x180000  }
0xa6: {  	[bflag:$0x0] =	sbarrier.arrive $0xFFFF  }
0xa7: {  	_ =	strace $0x90000047  }
0xa8: {  	s0 =	stileid.u32;
	[bflag:$0x2] =	sbarrier.arrive $0xFFFF  }
0xa9: {  	p0 =	sne.s32 s0, $0x0;
	s0 =	rddreg [dreg:$0x2]  }
0xaa: {  	s0 =	sadd.s32 @!p0 $0x100000, s0  }
0xab: {  	[sflag:s0] =	ssyncadd.tile.s32 @!p0 $0x1;
	_ =	shalt  }
.Lfunc_end2:
_tile_overlayer_lowered:
.L_overlay_start_2:
0xac: {  	(tag) =	ssettag $0x2  }
0xad: {  	s0 =	rddreg [dreg:$0x0];
	s2 =	stileid.u32  }
0xae: {  	s1 =	rddreg [dreg:$0x1];
	p0 =	sne.s32 s2, $0x0  }
0xaf: {  	s3 =	rddreg [dreg:$0x2];
	[bflag:$0x3] =	sbarrier.arrive $0xFFFF;
	s2 =	simm.s32 @!p0 $0x1C15  }
0xb0: {  	[timem:s3], [sflag:s2] =	dma.local @!p0 [hbm:s0], s1  }
0xb1: {  	s0 =	simm.s32 @!p0 $0x15  }
0xb2: {  	_ =	swait.ge @!p0 [sflag:s0], s1  }
0xb3: {  	s1 =	ssub.s32 @!p0 $0x0, s1;
	[sflag:s0] =	ssyncset.done @!p0 $0x0  }
0xb4: {  	[sflag:s0] =	ssyncadd.s32 @!p0 s1  }
0xb5: {  	[bflag:$0x3] =	sbarrier.arrive $0xFFFF  }
0xb6: {  	_ =	shalt  }

// kernel: sparse-core-data-format-call.cloned.1.call-start
scs
called_computation_lowered:
.L_overlay_start_0:
0x0: {  	s2 =	sld [smem:$0x3FD9]  }
0x1: {  	s3 =	sld [smem:$0x3FFE];
	_ =	sdelay $0x1  }
0x2: {  	s1 =	srdreg.scid  }
0x3: {  	s0 =	sand.u32 $0x1, s1  }
0x4: {  	s18 =	sshll.u32 s0, $0xA;
	s2 =	sadd.s32 s3, s2  }
0x5: {  	s2 =	sadd.s32 s2, s18  }
0x6: {  	[smem:$0x3FC6] =	sst s2  }
0x7: {  	_ = 	snop  }
0x8: {  	s2 =	sld [smem:$0x3FD0];
	(tm) =	ssettm $0x1  }
0x9: {  	s19 =	sld [smem:$0x3FFB];
	_ =	sdelay $0x3  }
0xa: {  	_ =	strace s19  }
0xb: {  	s3 =	sld [smem:$0x3FFC];
	_ =	sdelay $0x3  }
0xc: {  	_ =	strace s3  }
0xd: {  	s3 =	sld [smem:$0x3FFD];
	_ =	sdelay $0x3  }
0xe: {  	_ =	strace s3  }
0xf: {  	_ =	strace $0x8FFFFFFF  }
0x10: {  	s20 =	sld [smem:$0x3FDB];
	_ =	sdelay $0x1  }
0x11: {  	s4 =	simm.s32 $_scs_section_size  }
0x12: {  	s5 =	simm.s32 $_size__tile_overlayer_lowered;
	s6 =	simm.s32 $_tile_overlayer_lowered  }
0x13: {  	s23 =	simm.s32 $0x1BFF;
	s22 =	sshll.u32 s6, $0x1;
	s3 =	sadd.s32 s4, s20  }
0x14: {  	s7 =	simm.s32 $0x0;
	s21 =	sshll.u32 s5, $0x1;
	s5 =	sadd.s32 s22, s3  }
0x15: {  	[timem:s7], [sflag:s23] =	dma.local [hbm:s5], s21  }
0x16: {  	_ =	swait.ge [sflag:s23], s21  }
0x17: {  	s4 =	ssub.s32 $0x0, s21;
	[sflag:s23] =	ssyncset.done $0x0  }
0x18: {  	[sflag:s23] =	ssyncadd.s32 s4;
	_ =	sdelay $0x1  }
0x19: {  	s24 =	simm.s32 $0x1B8B  }
0x1a: {  	_ =	swait.ge [sflag:s24], $0x1  }
0x1b: {  	[sflag:s24] =	ssyncset.done $0x0  }
0x1c: {  	s26 =	simm.s32 $0x1B8E;
	s25 =	sld [smem:$0x3FFE];
	[sflag:s24] =	ssyncadd.s32 $0xFFFFFFFF  }
0x1d: {  	s27 =	simm.s32 $execute0_lowered;
	[smem:$0x3FD2] =	sst s26  }
0x1e: {  	s5 =	sshll.u32 s27, $0x1;
	_ =	strace $0x80000049;
	[dreg:$0x1] =	wrdreg $0xFFFFFFFF  }
0x1f: {  	s28 =	simm.s32 $_size_execute0_lowered;
	s3 =	sadd.s32 s3, s5;
	[dreg:$0x0] =	wrdreg $0x0  }
0x20: {  	s5 =	sshll.u32 s28, $0x1;
	[dreg:$0x2] =	wrdreg s3  }
0x21: {  	[dreg:$0x3] =	wrdreg s5  }
0x22: {  	[dreg:$0x4] =	wrdreg $0xC0  }
0x23: {  	_ =	task [dreg:s7], $0x5FFFF  }
0x24: {  	[dreg:$0x1] =	wrdreg $0xFFFFFFFF  }
0x25: {  	[dreg:$0x0] =	wrdreg $0x60  }
0x26: {  	[dreg:$0x2] =	wrdreg s25  }
0x27: {  	[dreg:$0x3] =	wrdreg s2  }
0x28: {  	[dreg:$0x4] =	wrdreg $0x9  }
0x29: {  	_ =	task.clear_ibuf [dreg:s7], $0x5FFFF;
	_ =	strace $0x90000049  }
0x2a: {  	s29 =	simm.s32 $0x9;
	_ =	strace $0x8000004B  }
0x2b: {  	_ =	swait.ge [sflag:s29], $0x1  }
0x2c: {  	[sflag:s29] =	ssyncadd.s32 $0xFFFFFFFF  }
0x2d: {  	_ =	strace $0x9000004B  }
0x2e: {  	_ =	sfence  }
0x2f: {  	s30 =	sld [smem:$0x0];
	_ =	sdelay $0x2  }
0x30: {  	s31 =	sshll.u32 s1, $0xD;
	s1 =	sshrl.u32 s1, $0x2  }
0x31: {  	s3 =	sand.u32 $0x4000, s31;
	s1 =	sadd.s32 s1, s30  }
0x32: {  	s0 =	sor.u32 s3, s0;
	s1 =	sshll.u32 s1, $0x11  }
0x33: {  	s0 =	sor.u32 s1, s0  }
0x34: {  	s0 =	sadd.s32 $0x8F2B, s0  }
0x35: {  	[sflag:s0] =	ssyncadd.remote.s32 $0x1  }
0x36: {  	_ =	sfence.sel $0xFFFF  }
0x37: {  	[dreg:$0x0] =	wrdreg $0xFFFFFFFF;
	(pc) =	sbr.abs _section_cstart, $3  }
0x38: {  	[dreg:$0x1] =	wrdreg $0xFFFFFFFF  }
0x39: {  	_ =	task.clear_ibuf [dreg:s7], $0x2FFFF;
	_ =	strace $0x9FFFFFFF  }
0x3a: {  	(tm) =	ssettm $0x7FFFFFFF  }
0x3b: {  	_ =	shalt  }
tec
execute0_lowered:
.L_overlay_start_1:
0x0: {  	(tag) =	ssettag $0x1  }
0x1: {  	s0 =	srdreg.scid  }
0x2: {  	s1 =	sshll.u32 s0, $0x4  }
0x3: {  	s4 =	rddreg [dreg:$0x0];
	s0 =	stileid.u32;
	s1 =	sand.u32 $0x10, s1  }
0x4: {  	s2 =	rddreg [dreg:$0x1];
	s7 =	simm.s32 $0x1;
	s1 =	sor.u32 s0, s1  }
0x5: {  	s8 =	simm.s32 $0x2;
	s11 =	simm.s32 $0x0;
	s3 =	sshll.u32 s1, $0x7  }
0x6: {  	s10 =	simm.s32 $0x0;
	s4 =	sadd.s32 $0xA00, s4;
	s6 =	ssub.s32 $0x32000, s3  }
.Ltmp0:
0x7: {  	s1 =	rddreg [dreg:$0x2];
	s5 =	sand.u32 $0xF80, s6;
	(pc) =	sbr.rel .LBB1_1-.Ltmp0, $4  }
0x8: {  	_ =	strace $0x8000004A;
	s9 =	smov.u32 s3;
	p0 =	sne.s32 s5, $0x0  }
0x9: {  	s6 =	sshrl.u32 s6, $0xC;
	s5 =	simm.s32 $0x1;
	s7 =	simm.s32 @!p0 $0x0  }
0xa: {  	[sflag:s5] =	ssyncpa.u1 $0x0;
	p0 =	por $0x0, $0x0;
	s6 =	sadd.s32 s7, s6  }
0xb: {  	[sflag:s8] =	ssyncpa.u1 $0x0;
	s8 =	simm.s32 $0x190000;
	s7 =	sadd.s32 $0x1, s6  }
.LBB1_4:
0xc: {  	s14 =	sshll.u32 s11, $0x3  }
0xd: {  	s30 =	sand.u32 $0x7F, s11;
	s15 =	sand.u32 $0xFFFFFC00, s14  }
0xe: {  	s11 =	sor.u32 s30, s15  }
0xf: {  	s15 =	smulhi.u32 $0x51EB851F, s11  }
0x10: {  	s14 =	smulhi.u32 $0x51EB851F, s14  }
0x11: {  	s15 =	sshrl.u32 s15, $0x10  }
0x12: {  	s14 =	sshrl.u32 s14, $0x10;
	s15 =	smul.u32 $0x32000, s15  }
0x13: {  	s14 =	sand.u32 $0x3F, s14  }
0x14: {  	s14 =	smul.u32 $0x6400, s14;
	s11 =	ssub.s32 s11, s15  }
0x15: {  	[tilespmem:s13+$0x810 ss:$0x81] =	vst.msk $0xffff, v2;
	s15 =	sand.u32 $0x7, s11  }
0x16: {  	[tilespmem:s13+$0x1020 ss:$0x81] =	vst.msk $0xffff, v0;
	s14 =	sadd.s32 s2, s14;
	s11 =	sshrl.u32 s11, $0x3;
	s15 =	sshll.u32 s15, $0x12  }
0x17: {  	[tilespmem:s13+$0x0 ss:$0x81] =	vst.msk $0xffff, v1;
	s11 =	sadd.s32 s11, s14;
	s31 =	sor.u32 $0x400, s15  }
0x18: {  	[hbm4b:s11+s31] =	stream.strided.scatter [tilespmem:s12], [sflag:$0x2], $0x2000, s8, s31, $0x20;
	[tilespmem:$0x8080] =	vst v63  }
.LBB1_5:
0x19: {  	s13 =	sadd.s32 $0x1000, s9  }
0x1a: {  	p2 =	sgt.s32 s13, $0x31FFF  }
0x1b: {  	s13 =	smov.u32 @p2 s3;
	p2 =	sne.s32 s10, s7  }
.Ltmp1:
0x1c: {  	p1 =	slt.u32 s10, $0x2;
	(pc) =	sbr.rel @!p2 .LBB1_6-.Ltmp1, $4  }
0x1d: {  	s12 =	simm.s32 @!p1 $0x2  }
0x1e: {  	s14 =	sadd.s32 $0x1, s10;
	_ =	swait.ge @!p1 [sflag:s12], $0x2000  }
0x1f: {  	s11 =	smov.u32 s9;
	p0 =	por !p0, !p0;
	[sflag:s12] =	ssyncset.done @!p1 $0x0  }
0x20: {  	s10 =	smov.u32 s14;
	s9 =	smov.u32 s13;
	[sflag:s12] =	ssyncadd.s32 @!p1 $0xFFFFE000  }
.LBB1_1:
0x21: {  	p1 =	sge.u32 s10, s6  }
0x22: {  	s12 =	sand.u32 @!p1 $0x1FFFFFF, s9  }
0x23: {  	s13 =	smulhi.u32 @!p1 $0x147AE15, s12;
	_ =	sdelay $0x1  }
0x24: {  	s13 =	sshrl.u32 @!p1 s13, $0xA  }
0x25: {  	s13 =	smul.u32 @!p1 $0x32000, s13;
	_ =	sdelay $0x1  }
0x26: {  	s31 =	sadd.s32 $0xFFFFFFFF, s10;
	s14 =	sxor.u32 @!p1 $0xFFFFFFFF, s10;
	s12 =	ssub.s32 @!p1 s12, s13  }
0x27: {  	s15 =	simm.s32 @!p1 $0x80;
	s14 =	sshll.u32 @!p1 s14, $0xD;
	s12 =	sshll.u32 @!p1 s12, $0x4  }
0x28: {  	s13 =	sand.u32 @!p1 $0x2000, s14;
	s14 =	simm.s32 @!p1 $0x40;
	s12 =	sadd.s32 @!p1 s4, s12  }
0x29: {  	[tilespmem:s13], [sflag:$0x1] =	stream.strided.gather @!p1 [hbm4b:s12+s14], $0x2000, s15, s14, $0x38;
	[tilespmem:$0x8080] =	vst v63  }
0x2a: {  	p1 =	sge.u32 s31, s6  }
.Ltmp2:
0x2b: {  	_ = 	snop;
	(pc) =	sbr.rel @p1 .LBB1_5-.Ltmp2, $1  }
0x2c: {  	_ =	sdelay $0x3  }
0x2d: {  	s12 =	simm.s32 $0x1  }
0x2e: {  	_ =	swait.ge [sflag:s5], $0x2000;
	s12 =	simm.s32 @!p0 $0x0  }
0x2f: {  	[sflag:s5] =	ssyncset.done $0x0;
	s13 =	sshll.u32 s12, $0xD  }
0x30: {  	[sflag:s5] =	ssyncadd.s32 $0xFFFFE000;
	s16 =	sor.u32 $0x20, s13  }
0x31: {  	s12 =	smul.u32 $0x8100, s12;
	v3 =	vld [tilespmem:s16+$0x10]  }
0x32: {  	s30 =	sand.u32 $0x1, s10;
	v2 =	vld [tilespmem:s16+$0xFFFFFFF0]  }
0x33: {  	s13 =	smul.u32 $0x8100, s30;
	s12 =	sshrl.u32 s12, $0x2;
	v0 =	vld [tilespmem:s16+$0x0]  }
0x34: {  	v1 =	vld [tilespmem:s16+$0xFFFFFFE0];
	s14 =	sor.u32 $0x4000, s12  }
0x35: {  	s31 =	sshrl.u32 s13, $0x2;
	s13 =	sadd.s32 $0x0, s14  }
0x36: {  	s15 =	simm.s32 $0x4;
	s16 =	sadd.s32 $0x40, s16;
	s12 =	sor.u32 $0x4000, s31;
	[tilespmem:s13+$0x1830 ss:$0x81] =	vst.msk $0xffff, v3  }
.LBB1_3:
0x37: {  	v3 =	vld [tilespmem:s16+$0x10];
	p1 =	sne.s32 s15, $0x1FC;
	[tilespmem:s13+$0x810 ss:$0x81] =	vst.msk $0xffff, v2;
	s17 =	smov.u32 s15;
	s15 =	sadd.s32 $0x4, s15  }
.Ltmp3:
0x38: {  	v2 =	vld [tilespmem:s16+$0xFFFFFFF0];
	[tilespmem:s13+$0x1020 ss:$0x81] =	vst.msk $0xffff, v0;
	(pc) =	sbr.rel @p1 .LBB1_3-.Ltmp3, $4  }
0x39: {  	v0 =	vld [tilespmem:s16+$0x0];
	[tilespmem:s13+$0x0 ss:$0x81] =	vst.msk $0xffff, v1  }
0x3a: {  	s13 =	sshra.s32 s17, $0x2;
	v1 =	vld [tilespmem:s16+$0xFFFFFFE0]  }
0x3b: {  	s13 =	sadd.s32 s13, s14  }
0x3c: {  	s16 =	sadd.s32 $0x40, s16;
	[tilespmem:s13+$0x1830 ss:$0x81] =	vst.msk $0xffff, v3  }
.Ltmp4:
0x3d: {  	_ = 	snop;
	(pc) =	sbr.rel .LBB1_4-.Ltmp4, $1  }
0x3e: {  	_ =	sdelay $0x3  }
.LBB1_6:
0x3f: {  	_ =	sfence.sel $0x180000  }
0x40: {  	s2 =	simm.s32 $0x1;
	[bflag:$0x0] =	sbarrier.arrive $0xFFFF  }
0x41: {  	s31 =	simm.s32 $0x2;
	[sflag:s2] =	ssyncpa.u1 $0x1  }
0x42: {  	[sflag:s31] =	ssyncpa.u1 $0x1  }
0x43: {  	p0 =	sne.s32 s0, $0x0;
	_ =	strace $0x9000004A  }
0x44: {  	s0 =	sadd.s32 @!p0 $0x100000, s1;
	[bflag:$0x2] =	sbarrier.arrive $0xFFFF  }
0x45: {  	[sflag:s0] =	ssyncadd.tile.s32 @!p0 $0x1;
	_ =	shalt  }
.Lfunc_end1:
_tile_overlayer_lowered:
.L_overlay_start_2:
0x46: {  	(tag) =	ssettag $0x2  }
0x47: {  	s0 =	rddreg [dreg:$0x0];
	s2 =	stileid.u32  }
0x48: {  	s1 =	rddreg [dreg:$0x1];
	p0 =	sne.s32 s2, $0x0  }
0x49: {  	s3 =	rddreg [dreg:$0x2];
	[bflag:$0x3] =	sbarrier.arrive $0xFFFF;
	s2 =	simm.s32 @!p0 $0x1C01  }
0x4a: {  	[timem:s3], [sflag:s2] =	dma.local @!p0 [hbm:s0], s1  }
0x4b: {  	s0 =	simm.s32 @!p0 $0x1  }
0x4c: {  	_ =	swait.ge @!p0 [sflag:s0], s1  }
0x4d: {  	s1 =	ssub.s32 @!p0 $0x0, s1;
	[sflag:s0] =	ssyncset.done @!p0 $0x0  }
0x4e: {  	[sflag:s0] =	ssyncadd.s32 @!p0 s1  }
0x4f: {  	[bflag:$0x3] =	sbarrier.arrive $0xFFFF  }
0x50: {  	_ =	shalt  }

</sc_bundles>
